<compile_context>
chip_gen: v7x
topology: tpu7x:2x2x1
jax: 0.10.2.dev20260603
libtpu: 0.0.44.dev20260713+nightly
codegen_flags: <defaults>
</compile_context>

<pallas_src>
import functools

import jax
import jax.numpy as jnp
from jax import lax
from jax.experimental import pallas as pl
from jax.experimental.pallas import tpu as pltpu
from jax.experimental.pallas import tpu_sc as plsc

HIDDEN_DIM = 64
PADDED_DIM = 128
SEQ_PAD = 56
NUM_CORES = 2
NUM_SUBCORES = 16
NUM_WORKERS = NUM_CORES * NUM_SUBCORES
CHUNK = 128
NBUF = 4
IGNORED_ID = -1


def kernel(input_ids, embed_tokens_weight):
    batch, seq = input_ids.shape
    vocab = embed_tokens_weight.shape[0]
    num_idx = batch * SEQ_PAD
    per_worker = num_idx // NUM_WORKERS
    n_iter = per_worker // CHUNK

    dummy = jnp.full((batch, SEQ_PAD - seq), IGNORED_ID, input_ids.dtype)
    flat_ids = jnp.concatenate([input_ids, dummy], axis=1).reshape(num_idx)

    table128 = jnp.pad(
        embed_tokens_weight, ((0, 0), (0, PADDED_DIM - HIDDEN_DIM))
    )

    mesh = plsc.VectorSubcoreMesh(core_axis_name="c", subcore_axis_name="s")

    @functools.partial(
        pl.kernel,
        mesh=mesh,
        out_type=jax.ShapeDtypeStruct((num_idx, PADDED_DIM), jnp.float32),
        scratch_types=[
            pltpu.VMEM((NBUF, CHUNK), jnp.int32),
            pltpu.VMEM((NBUF, CHUNK, PADDED_DIM), jnp.float32),
            pltpu.SemaphoreType.DMA((NBUF,)),
            pltpu.SemaphoreType.DMA((NBUF,)),
            pltpu.SemaphoreType.DMA((NBUF,)),
        ],
    )
    def gather_kernel(table_hbm, idx_hbm, out_hbm, idx_v, rows_v, sem_idx,
                      sem_gat, sem_out):
        wid = lax.axis_index("s") * NUM_CORES + lax.axis_index("c")
        base = wid * per_worker

        def idx_copy(it, buf):
            return pltpu.make_async_copy(
                idx_hbm.at[pl.ds(base + it * CHUNK, CHUNK)],
                idx_v.at[buf],
                sem_idx.at[buf],
            )

        def gat_copy(buf):
            return pltpu.make_async_copy(
                table_hbm.at[
                    plsc.Indices(idx_v.at[buf], ignored_value=IGNORED_ID)
                ],
                rows_v.at[buf],
                sem_gat.at[buf],
            )

        def out_copy(it, buf):
            return pltpu.make_async_copy(
                rows_v.at[buf],
                out_hbm.at[pl.ds(base + it * CHUNK, CHUNK)],
                sem_out.at[buf],
            )

        idx_copy(0, 0).start()

        @pl.loop(0, n_iter, step=NBUF)
        def _(i):
            for b in range(NBUF):
                it = i + b
                idx_copy(it, b).wait()
                @pl.when(it >= NBUF)
                def _():
                    out_copy(it - NBUF, b).wait()

                gat_copy(b).start()

                @pl.when(it + 1 < n_iter)
                def _():
                    idx_copy(it + 1, (b + 1) % NBUF).start()

                @pl.when(it >= 2)
                def _():
                    gat_copy((b - 2) % NBUF).wait()
                    out_copy(it - 2, (b - 2) % NBUF).start()

        last = n_iter - 1
        gat_copy((last - 1) % NBUF).wait()
        out_copy(last - 1, (last - 1) % NBUF).start()
        gat_copy(last % NBUF).wait()
        out_copy(last, last % NBUF).start()
        for j in range(NBUF - 1, -1, -1):
            out_copy(last - j, (last - j) % NBUF).wait()

    fat = gather_kernel(table128, flat_ids)
    fat3 = fat.reshape(batch, SEQ_PAD, PADDED_DIM)
    return fat3[:, :seq, :HIDDEN_DIM]

# --- scband reference (transcript-rebuilt; emitter-appended) ---
"""Pipeline reference for scband-score-tower-15272903705360 (READ-ONLY COPY).

The authoritative reference and input builder live on the scoring server;
editing this copy changes nothing except your own understanding.
"""

import jax, jax.numpy as jnp
import numpy as np

VOCAB = 1000000
HIDDEN_DIM = 64
BATCH = 16384
SEQ = 50


def setup_inputs(seed: int = 0) -> dict:
    key = jax.random.key(seed)
    k_ids, k_tab = jax.random.split(key)
    input_ids = jax.random.randint(k_ids, (BATCH, SEQ), 0, VOCAB, dtype=jnp.int64 if jax.config.jax_enable_x64 else jnp.int32)
    embed_tokens_weight = jax.random.normal(k_tab, (VOCAB, HIDDEN_DIM), dtype=jnp.float32) * 0.02
    return {"input_ids": input_ids, "embed_tokens_weight": embed_tokens_weight}


def reference(input_ids, embed_tokens_weight):
    # ScoreTower.forward: tokens = self.embed_tokens(input_ids)
    tokens = jnp.take(embed_tokens_weight, input_ids, axis=0)
    return tokens

if __name__ == "__main__":
    import jax
    _d = setup_inputs()
    print(jax.jit(kernel)(*tuple(_d.values())))

</pallas_src>

<mosaic_0001>
#map = affine_map<(d0, d1) -> (0, 0)>
#map1 = affine_map<(d0, d1) -> (0)>
module attributes {stable_mosaic.version = 14 : i64} {
  func.func @gather_kernel(%arg0: i32, %arg1: i32, %arg2: memref<1000000x128xf32, #tpu.memory_space<hbm>>, %arg3: memref<917504xi32, #tpu.memory_space<hbm>>, %arg4: memref<917504x128xf32, #tpu.memory_space<hbm>>, %arg5: memref<4x128xi32, #tpu.memory_space<vmem>>, %arg6: memref<4x128x128xf32, #tpu.memory_space<vmem>>, %arg7: memref<4x!tpu.dma_semaphore, #tpu.memory_space<semaphore_mem>>, %arg8: memref<4x!tpu.dma_semaphore, #tpu.memory_space<semaphore_mem>>, %arg9: memref<4x!tpu.dma_semaphore, #tpu.memory_space<semaphore_mem>>) attributes {dimension_semantics = [#tpu.dimension_semantics<core_parallel>, #tpu.dimension_semantics<subcore_parallel>], iteration_bounds = array<i64: 2, 16>, scalar_prefetch = 0 : i64, scratch_operands = 5 : i64, tpu.core_type = #tpu.core_type<sc_vector_subcore>, window_params = [{transform_indices = #map}, {transform_indices = #map1}, {transform_indices = #map}]} {
    %mul3A = arith.constant 2 : i32
    %mul3A_0 = arith.muli %arg1, %mul3A : i32
    %add3A = arith.addi %mul3A_0, %arg0 : i32
    %mul3A_1 = arith.constant 28672 : i32
    %mul3A_2 = arith.muli %add3A, %mul3A_1 : i32
    %add3A_3 = arith.constant 0 : i32
    %add3A_4 = arith.addi %mul3A_2, %add3A_3 : i32
    %dma_start3A = arith.constant 0 : i32
    %dma_start3A_5 = arith.constant 0 : i32
    %dma_start3A_6 = arith.constant 0 : i32
    %dma_start3A_7 = tpu.memref_slice %arg5[%dma_start3A, %dma_start3A_6] : memref<4x128xi32, #tpu.memory_space<vmem>> -> memref<1x128xi32, #tpu.memory_space<vmem>>
    %dma_start3A_8 = tpu.memref_squeeze %dma_start3A_7 : memref<1x128xi32, #tpu.memory_space<vmem>> -> memref<128xi32, #tpu.memory_space<vmem>>
    %dma_start3A_9 = tpu.memref_slice %arg3[%add3A_4] : memref<917504xi32, #tpu.memory_space<hbm>> -> memref<128xi32, #tpu.memory_space<hbm>>
    %dma_start3A_10 = tpu.memref_slice %arg7[%dma_start3A_5] : memref<4x!tpu.dma_semaphore, #tpu.memory_space<semaphore_mem>> -> memref<1x!tpu.dma_semaphore, #tpu.memory_space<semaphore_mem>>
    %dma_start3A_11 = tpu.memref_squeeze %dma_start3A_10 : memref<1x!tpu.dma_semaphore, #tpu.memory_space<semaphore_mem>> -> memref<!tpu.dma_semaphore, #tpu.memory_space<semaphore_mem>>
    %dma_start3A_12 = arith.constant 0 : i32
    %dma_start3A_13 = tpu.memref_slice %arg5[%dma_start3A, %dma_start3A_12] : memref<4x128xi32, #tpu.memory_space<vmem>> -> memref<1x128xi32, #tpu.memory_space<vmem>>
    %dma_start3A_14 = tpu.memref_squeeze %dma_start3A_13 : memref<1x128xi32, #tpu.memory_space<vmem>> -> memref<128xi32, #tpu.memory_space<vmem>>
    %dma_start3A_15 = tpu.memref_slice %arg3[%add3A_4] : memref<917504xi32, #tpu.memory_space<hbm>> -> memref<128xi32, #tpu.memory_space<hbm>>
    tpu.enqueue_dma source(%dma_start3A_15 : memref<128xi32, #tpu.memory_space<hbm>>) target(%dma_start3A_14 : memref<128xi32, #tpu.memory_space<vmem>>) target_semaphore(%dma_start3A_11 : memref<!tpu.dma_semaphore, #tpu.memory_space<semaphore_mem>>)
    %scan3A = arith.constant 0 : i32
    %scan3A_16 = arith.constant 56 : i32
    %scan3A_17 = arith.addi %scan3A, %scan3A_16 : i32
    %scan3A_18 = arith.constant 1 : i32
    scf.for %scan3A_157 = %scan3A to %scan3A_17 step %scan3A_18  : i32 {
      %mul3A_158 = arith.constant 4 : i32
      %mul3A_159 = arith.muli %scan3A_157, %mul3A_158 : i32
      %add3A_160 = arith.constant 0 : i32
      %add3A_161 = arith.addi %add3A_160, %mul3A_159 : i32
      %add3A_162 = arith.constant 0 : i32
      %add3A_163 = arith.addi %add3A_161, %add3A_162 : i32
      %mul3A_164 = arith.constant 128 : i32
      %mul3A_165 = arith.muli %add3A_163, %mul3A_164 : i32
      %add3A_166 = arith.addi %mul3A_2, %mul3A_165 : i32
      %dma_wait3A_167 = arith.constant 0 : i32
      %dma_wait3A_168 = arith.constant 0 : i32
      %dma_wait3A_169 = arith.constant 0 : i32
      %dma_wait3A_170 = tpu.memref_slice %arg5[%dma_wait3A_167, %dma_wait3A_169] : memref<4x128xi32, #tpu.memory_space<vmem>> -> memref<1x128xi32, #tpu.memory_space<vmem>>
      %dma_wait3A_171 = tpu.memref_squeeze %dma_wait3A_170 : memref<1x128xi32, #tpu.memory_space<vmem>> -> memref<128xi32, #tpu.memory_space<vmem>>
      %dma_wait3A_172 = tpu.memref_slice %arg3[%add3A_166] : memref<917504xi32, #tpu.memory_space<hbm>> -> memref<128xi32, #tpu.memory_space<hbm>>
      %dma_wait3A_173 = tpu.memref_slice %arg7[%dma_wait3A_168] : memref<4x!tpu.dma_semaphore, #tpu.memory_space<semaphore_mem>> -> memref<1x!tpu.dma_semaphore, #tpu.memory_space<semaphore_mem>>
      %dma_wait3A_174 = tpu.memref_squeeze %dma_wait3A_173 : memref<1x!tpu.dma_semaphore, #tpu.memory_space<semaphore_mem>> -> memref<!tpu.dma_semaphore, #tpu.memory_space<semaphore_mem>>
      %dma_wait3A_175 = arith.constant 0 : i32
      %dma_wait3A_176 = tpu.memref_slice %arg5[%dma_wait3A_167, %dma_wait3A_175] : memref<4x128xi32, #tpu.memory_space<vmem>> -> memref<1x128xi32, #tpu.memory_space<vmem>>
      %dma_wait3A_177 = tpu.memref_squeeze %dma_wait3A_176 : memref<1x128xi32, #tpu.memory_space<vmem>> -> memref<128xi32, #tpu.memory_space<vmem>>
      %dma_wait3A_178 = tpu.memref_slice %arg3[%add3A_166] : memref<917504xi32, #tpu.memory_space<hbm>> -> memref<128xi32, #tpu.memory_space<hbm>>
      tpu.wait_dma2 semaphore(%dma_wait3A_174 : memref<!tpu.dma_semaphore, #tpu.memory_space<semaphore_mem>>) src(%dma_wait3A_178 : memref<128xi32, #tpu.memory_space<hbm>>) dst(%dma_wait3A_177 : memref<128xi32, #tpu.memory_space<vmem>>)
      %ge3A = arith.constant 4 : i32
      %ge3A_179 = arith.cmpi sge, %add3A_163, %ge3A : i32
      %convert_element_type3A = arith.extui %ge3A_179 : i1 to i32
      %cond3A = arith.constant 0 : i32
      %cond3A_180 = arith.cmpi ne, %convert_element_type3A, %cond3A : i32
      scf.if %cond3A_180 {
        %sub3A = arith.constant 4 : i32
        %sub3A_358 = arith.subi %add3A_163, %sub3A : i32
        %mul3A_359 = arith.constant 128 : i32
        %mul3A_360 = arith.muli %sub3A_358, %mul3A_359 : i32
        %add3A_361 = arith.addi %mul3A_2, %mul3A_360 : i32
        %dma_wait3A_362 = arith.constant 0 : i32
        %dma_wait3A_363 = arith.constant 0 : i32
        %dma_wait3A_364 = arith.constant 0 : i32
        %dma_wait3A_365 = arith.constant 0 : i32
        %dma_wait3A_366 = tpu.memref_slice %arg6[%dma_wait3A_362, %dma_wait3A_364, %dma_wait3A_365] : memref<4x128x128xf32, #tpu.memory_space<vmem>> -> memref<1x128x128xf32, #tpu.memory_space<vmem>>
        %dma_wait3A_367 = tpu.memref_squeeze %dma_wait3A_366 : memref<1x128x128xf32, #tpu.memory_space<vmem>> -> memref<128x128xf32, #tpu.memory_space<vmem>>
        %dma_wait3A_368 = arith.constant 0 : i32
        %dma_wait3A_369 = tpu.memref_slice %arg4[%add3A_361, %dma_wait3A_368] : memref<917504x128xf32, #tpu.memory_space<hbm>> -> memref<128x128xf32, #tpu.memory_space<hbm>>
        %dma_wait3A_370 = tpu.memref_slice %arg9[%dma_wait3A_363] : memref<4x!tpu.dma_semaphore, #tpu.memory_space<semaphore_mem>> -> memref<1x!tpu.dma_semaphore, #tpu.memory_space<semaphore_mem>>
        %dma_wait3A_371 = tpu.memref_squeeze %dma_wait3A_370 : memref<1x!tpu.dma_semaphore, #tpu.memory_space<semaphore_mem>> -> memref<!tpu.dma_semaphore, #tpu.memory_space<semaphore_mem>>
        %dma_wait3A_372 = arith.constant 0 : i32
        %dma_wait3A_373 = tpu.memref_slice %arg4[%add3A_361, %dma_wait3A_372] : memref<917504x128xf32, #tpu.memory_space<hbm>> -> memref<128x128xf32, #tpu.memory_space<hbm>>
        %dma_wait3A_374 = arith.constant 0 : i32
        %dma_wait3A_375 = arith.constant 0 : i32
        %dma_wait3A_376 = tpu.memref_slice %arg6[%dma_wait3A_362, %dma_wait3A_374, %dma_wait3A_375] : memref<4x128x128xf32, #tpu.memory_space<vmem>> -> memref<1x128x128xf32, #tpu.memory_space<vmem>>
        %dma_wait3A_377 = tpu.memref_squeeze %dma_wait3A_376 : memref<1x128x128xf32, #tpu.memory_space<vmem>> -> memref<128x128xf32, #tpu.memory_space<vmem>>
        tpu.wait_dma2 semaphore(%dma_wait3A_371 : memref<!tpu.dma_semaphore, #tpu.memory_space<semaphore_mem>>) src(%dma_wait3A_377 : memref<128x128xf32, #tpu.memory_space<vmem>>) dst(%dma_wait3A_373 : memref<128x128xf32, #tpu.memory_space<hbm>>)
      } else {
      }
      %dma_start3A_181 = arith.constant 0 : i32
      %dma_start3A_182 = arith.constant 0 : i32
      %dma_start3A_183 = arith.constant 0 : i32
      %dma_start3A_184 = arith.constant 0 : i32
      %dma_start3A_185 = arith.constant 0 : i32
      %dma_start3A_186 = tpu.memref_slice %arg6[%dma_start3A_182, %dma_start3A_184, %dma_start3A_185] : memref<4x128x128xf32, #tpu.memory_space<vmem>> -> memref<1x128x128xf32, #tpu.memory_space<vmem>>
      %dma_start3A_187 = tpu.memref_squeeze %dma_start3A_186 : memref<1x128x128xf32, #tpu.memory_space<vmem>> -> memref<128x128xf32, #tpu.memory_space<vmem>>
      %dma_start3A_188 = arith.constant 0 : i32
      %dma_start3A_189 = tpu.memref_slice %arg5[%dma_start3A_181, %dma_start3A_188] : memref<4x128xi32, #tpu.memory_space<vmem>> -> memref<1x128xi32, #tpu.memory_space<vmem>>
      %dma_start3A_190 = tpu.memref_squeeze %dma_start3A_189 : memref<1x128xi32, #tpu.memory_space<vmem>> -> memref<128xi32, #tpu.memory_space<vmem>>
      %dma_start3A_191 = arith.constant 0 : i32
      %dma_start3A_192 = arith.constant 0 : i32
      %dma_start3A_193 = tpu.memref_slice %arg2[%dma_start3A_191, %dma_start3A_192] : memref<1000000x128xf32, #tpu.memory_space<hbm>> -> memref<1000000x128xf32, #tpu.memory_space<hbm>>
      %dma_start3A_194 = arith.constant -1 : i32
      %dma_start3A_195 = tpu.memref_slice %arg8[%dma_start3A_183] : memref<4x!tpu.dma_semaphore, #tpu.memory_space<semaphore_mem>> -> memref<1x!tpu.dma_semaphore, #tpu.memory_space<semaphore_mem>>
      %dma_start3A_196 = tpu.memref_squeeze %dma_start3A_195 : memref<1x!tpu.dma_semaphore, #tpu.memory_space<semaphore_mem>> -> memref<!tpu.dma_semaphore, #tpu.memory_space<semaphore_mem>>
      tpu.enqueue_indirect_dma source(%dma_start3A_193 : memref<1000000x128xf32, #tpu.memory_space<hbm>>) target(%dma_start3A_187 : memref<128x128xf32, #tpu.memory_space<vmem>>) offsets(%dma_start3A_190 : memref<128xi32, #tpu.memory_space<vmem>>) offset_filter(%dma_start3A_194) semaphore(%dma_start3A_196 : memref<!tpu.dma_semaphore, #tpu.memory_space<semaphore_mem>>)
      %add3A_197 = arith.constant 1 : i32
      %add3A_198 = arith.addi %add3A_163, %add3A_197 : i32
      %lt3A = arith.constant 224 : i32
      %lt3A_199 = arith.cmpi slt, %add3A_198, %lt3A : i32
      %convert_element_type3A_200 = arith.extui %lt3A_199 : i1 to i32
      %cond3A_201 = arith.constant 0 : i32
      %cond3A_202 = arith.cmpi ne, %convert_element_type3A_200, %cond3A_201 : i32
      scf.if %cond3A_202 {
        %add3A_358 = arith.constant 1 : i32
        %add3A_359 = arith.addi %add3A_163, %add3A_358 : i32
        %mul3A_360 = arith.constant 128 : i32
        %mul3A_361 = arith.muli %add3A_359, %mul3A_360 : i32
        %add3A_362 = arith.addi %mul3A_2, %mul3A_361 : i32
        %dma_start3A_363 = arith.constant 1 : i32
        %dma_start3A_364 = arith.constant 1 : i32
        %dma_start3A_365 = arith.constant 0 : i32
        %dma_start3A_366 = tpu.memref_slice %arg5[%dma_start3A_363, %dma_start3A_365] : memref<4x128xi32, #tpu.memory_space<vmem>> -> memref<1x128xi32, #tpu.memory_space<vmem>>
        %dma_start3A_367 = tpu.memref_squeeze %dma_start3A_366 : memref<1x128xi32, #tpu.memory_space<vmem>> -> memref<128xi32, #tpu.memory_space<vmem>>
        %dma_start3A_368 = tpu.memref_slice %arg3[%add3A_362] : memref<917504xi32, #tpu.memory_space<hbm>> -> memref<128xi32, #tpu.memory_space<hbm>>
        %dma_start3A_369 = tpu.memref_slice %arg7[%dma_start3A_364] : memref<4x!tpu.dma_semaphore, #tpu.memory_space<semaphore_mem>> -> memref<1x!tpu.dma_semaphore, #tpu.memory_space<semaphore_mem>>
        %dma_start3A_370 = tpu.memref_squeeze %dma_start3A_369 : memref<1x!tpu.dma_semaphore, #tpu.memory_space<semaphore_mem>> -> memref<!tpu.dma_semaphore, #tpu.memory_space<semaphore_mem>>
        %dma_start3A_371 = arith.constant 0 : i32
        %dma_start3A_372 = tpu.memref_slice %arg5[%dma_start3A_363, %dma_start3A_371] : memref<4x128xi32, #tpu.memory_space<vmem>> -> memref<1x128xi32, #tpu.memory_space<vmem>>
        %dma_start3A_373 = tpu.memref_squeeze %dma_start3A_372 : memref<1x128xi32, #tpu.memory_space<vmem>> -> memref<128xi32, #tpu.memory_space<vmem>>
        %dma_start3A_374 = tpu.memref_slice %arg3[%add3A_362] : memref<917504xi32, #tpu.memory_space<hbm>> -> memref<128xi32, #tpu.memory_space<hbm>>
        tpu.enqueue_dma source(%dma_start3A_374 : memref<128xi32, #tpu.memory_space<hbm>>) target(%dma_start3A_373 : memref<128xi32, #tpu.memory_space<vmem>>) target_semaphore(%dma_start3A_370 : memref<!tpu.dma_semaphore, #tpu.memory_space<semaphore_mem>>)
      } else {
      }
      %ge3A_203 = arith.constant 2 : i32
      %ge3A_204 = arith.cmpi sge, %add3A_163, %ge3A_203 : i32
      %convert_element_type3A_205 = arith.extui %ge3A_204 : i1 to i32
      %cond3A_206 = arith.constant 0 : i32
      %cond3A_207 = arith.cmpi ne, %convert_element_type3A_205, %cond3A_206 : i32
      scf.if %cond3A_207 {
        %dma_wait3A_358 = arith.constant 2 : i32
        %dma_wait3A_359 = arith.constant 2 : i32
        %dma_wait3A_360 = arith.constant 2 : i32
        %dma_wait3A_361 = arith.constant 0 : i32
        %dma_wait3A_362 = arith.constant 0 : i32
        %dma_wait3A_363 = tpu.memref_slice %arg6[%dma_wait3A_359, %dma_wait3A_361, %dma_wait3A_362] : memref<4x128x128xf32, #tpu.memory_space<vmem>> -> memref<1x128x128xf32, #tpu.memory_space<vmem>>
        %dma_wait3A_364 = tpu.memref_squeeze %dma_wait3A_363 : memref<1x128x128xf32, #tpu.memory_space<vmem>> -> memref<128x128xf32, #tpu.memory_space<vmem>>
        %dma_wait3A_365 = arith.constant 0 : i32
        %dma_wait3A_366 = tpu.memref_slice %arg5[%dma_wait3A_358, %dma_wait3A_365] : memref<4x128xi32, #tpu.memory_space<vmem>> -> memref<1x128xi32, #tpu.memory_space<vmem>>
        %dma_wait3A_367 = tpu.memref_squeeze %dma_wait3A_366 : memref<1x128xi32, #tpu.memory_space<vmem>> -> memref<128xi32, #tpu.memory_space<vmem>>
        %dma_wait3A_368 = arith.constant 0 : i32
        %dma_wait3A_369 = arith.constant 0 : i32
        %dma_wait3A_370 = tpu.memref_slice %arg2[%dma_wait3A_368, %dma_wait3A_369] : memref<1000000x128xf32, #tpu.memory_space<hbm>> -> memref<1000000x128xf32, #tpu.memory_space<hbm>>
        %dma_wait3A_371 = tpu.memref_slice %arg8[%dma_wait3A_360] : memref<4x!tpu.dma_semaphore, #tpu.memory_space<semaphore_mem>> -> memref<1x!tpu.dma_semaphore, #tpu.memory_space<semaphore_mem>>
        %dma_wait3A_372 = tpu.memref_squeeze %dma_wait3A_371 : memref<1x!tpu.dma_semaphore, #tpu.memory_space<semaphore_mem>> -> memref<!tpu.dma_semaphore, #tpu.memory_space<semaphore_mem>>
        tpu.wait_indirect_dma semaphore(%dma_wait3A_372 : memref<!tpu.dma_semaphore, #tpu.memory_space<semaphore_mem>>) src(%dma_wait3A_370 : memref<1000000x128xf32, #tpu.memory_space<hbm>>) dst(%dma_wait3A_364 : memref<128x128xf32, #tpu.memory_space<vmem>>)
        %sub3A = arith.constant 2 : i32
        %sub3A_373 = arith.subi %add3A_163, %sub3A : i32
        %mul3A_374 = arith.constant 128 : i32
        %mul3A_375 = arith.muli %sub3A_373, %mul3A_374 : i32
        %add3A_376 = arith.addi %mul3A_2, %mul3A_375 : i32
        %dma_start3A_377 = arith.constant 2 : i32
        %dma_start3A_378 = arith.constant 2 : i32
        %dma_start3A_379 = arith.constant 0 : i32
        %dma_start3A_380 = arith.constant 0 : i32
        %dma_start3A_381 = tpu.memref_slice %arg6[%dma_start3A_377, %dma_start3A_379, %dma_start3A_380] : memref<4x128x128xf32, #tpu.memory_space<vmem>> -> memref<1x128x128xf32, #tpu.memory_space<vmem>>
        %dma_start3A_382 = tpu.memref_squeeze %dma_start3A_381 : memref<1x128x128xf32, #tpu.memory_space<vmem>> -> memref<128x128xf32, #tpu.memory_space<vmem>>
        %dma_start3A_383 = arith.constant 0 : i32
        %dma_start3A_384 = tpu.memref_slice %arg4[%add3A_376, %dma_start3A_383] : memref<917504x128xf32, #tpu.memory_space<hbm>> -> memref<128x128xf32, #tpu.memory_space<hbm>>
        %dma_start3A_385 = tpu.memref_slice %arg9[%dma_start3A_378] : memref<4x!tpu.dma_semaphore, #tpu.memory_space<semaphore_mem>> -> memref<1x!tpu.dma_semaphore, #tpu.memory_space<semaphore_mem>>
        %dma_start3A_386 = tpu.memref_squeeze %dma_start3A_385 : memref<1x!tpu.dma_semaphore, #tpu.memory_space<semaphore_mem>> -> memref<!tpu.dma_semaphore, #tpu.memory_space<semaphore_mem>>
        %dma_start3A_387 = arith.constant 0 : i32
        %dma_start3A_388 = tpu.memref_slice %arg4[%add3A_376, %dma_start3A_387] : memref<917504x128xf32, #tpu.memory_space<hbm>> -> memref<128x128xf32, #tpu.memory_space<hbm>>
        %dma_start3A_389 = arith.constant 0 : i32
        %dma_start3A_390 = arith.constant 0 : i32
        %dma_start3A_391 = tpu.memref_slice %arg6[%dma_start3A_377, %dma_start3A_389, %dma_start3A_390] : memref<4x128x128xf32, #tpu.memory_space<vmem>> -> memref<1x128x128xf32, #tpu.memory_space<vmem>>
        %dma_start3A_392 = tpu.memref_squeeze %dma_start3A_391 : memref<1x128x128xf32, #tpu.memory_space<vmem>> -> memref<128x128xf32, #tpu.memory_space<vmem>>
        tpu.enqueue_dma source(%dma_start3A_392 : memref<128x128xf32, #tpu.memory_space<vmem>>) target(%dma_start3A_388 : memref<128x128xf32, #tpu.memory_space<hbm>>) target_semaphore(%dma_start3A_386 : memref<!tpu.dma_semaphore, #tpu.memory_space<semaphore_mem>>)
      } else {
      }
      %add3A_208 = arith.constant 1 : i32
      %add3A_209 = arith.addi %add3A_161, %add3A_208 : i32
      %mul3A_210 = arith.constant 128 : i32
      %mul3A_211 = arith.muli %add3A_209, %mul3A_210 : i32
      %add3A_212 = arith.addi %mul3A_2, %mul3A_211 : i32
      %dma_wait3A_213 = arith.constant 1 : i32
      %dma_wait3A_214 = arith.constant 1 : i32
      %dma_wait3A_215 = arith.constant 0 : i32
      %dma_wait3A_216 = tpu.memref_slice %arg5[%dma_wait3A_213, %dma_wait3A_215] : memref<4x128xi32, #tpu.memory_space<vmem>> -> memref<1x128xi32, #tpu.memory_space<vmem>>
      %dma_wait3A_217 = tpu.memref_squeeze %dma_wait3A_216 : memref<1x128xi32, #tpu.memory_space<vmem>> -> memref<128xi32, #tpu.memory_space<vmem>>
      %dma_wait3A_218 = tpu.memref_slice %arg3[%add3A_212] : memref<917504xi32, #tpu.memory_space<hbm>> -> memref<128xi32, #tpu.memory_space<hbm>>
      %dma_wait3A_219 = tpu.memref_slice %arg7[%dma_wait3A_214] : memref<4x!tpu.dma_semaphore, #tpu.memory_space<semaphore_mem>> -> memref<1x!tpu.dma_semaphore, #tpu.memory_space<semaphore_mem>>
      %dma_wait3A_220 = tpu.memref_squeeze %dma_wait3A_219 : memref<1x!tpu.dma_semaphore, #tpu.memory_space<semaphore_mem>> -> memref<!tpu.dma_semaphore, #tpu.memory_space<semaphore_mem>>
      %dma_wait3A_221 = arith.constant 0 : i32
      %dma_wait3A_222 = tpu.memref_slice %arg5[%dma_wait3A_213, %dma_wait3A_221] : memref<4x128xi32, #tpu.memory_space<vmem>> -> memref<1x128xi32, #tpu.memory_space<vmem>>
      %dma_wait3A_223 = tpu.memref_squeeze %dma_wait3A_222 : memref<1x128xi32, #tpu.memory_space<vmem>> -> memref<128xi32, #tpu.memory_space<vmem>>
      %dma_wait3A_224 = tpu.memref_slice %arg3[%add3A_212] : memref<917504xi32, #tpu.memory_space<hbm>> -> memref<128xi32, #tpu.memory_space<hbm>>
      tpu.wait_dma2 semaphore(%dma_wait3A_220 : memref<!tpu.dma_semaphore, #tpu.memory_space<semaphore_mem>>) src(%dma_wait3A_224 : memref<128xi32, #tpu.memory_space<hbm>>) dst(%dma_wait3A_223 : memref<128xi32, #tpu.memory_space<vmem>>)
      %ge3A_225 = arith.constant 4 : i32
      %ge3A_226 = arith.cmpi sge, %add3A_209, %ge3A_225 : i32
      %convert_element_type3A_227 = arith.extui %ge3A_226 : i1 to i32
      %cond3A_228 = arith.constant 0 : i32
      %cond3A_229 = arith.cmpi ne, %convert_element_type3A_227, %cond3A_228 : i32
      scf.if %cond3A_229 {
        %sub3A = arith.constant 4 : i32
        %sub3A_358 = arith.subi %add3A_209, %sub3A : i32
        %mul3A_359 = arith.constant 128 : i32
        %mul3A_360 = arith.muli %sub3A_358, %mul3A_359 : i32
        %add3A_361 = arith.addi %mul3A_2, %mul3A_360 : i32
        %dma_wait3A_362 = arith.constant 1 : i32
        %dma_wait3A_363 = arith.constant 1 : i32
        %dma_wait3A_364 = arith.constant 0 : i32
        %dma_wait3A_365 = arith.constant 0 : i32
        %dma_wait3A_366 = tpu.memref_slice %arg6[%dma_wait3A_362, %dma_wait3A_364, %dma_wait3A_365] : memref<4x128x128xf32, #tpu.memory_space<vmem>> -> memref<1x128x128xf32, #tpu.memory_space<vmem>>
        %dma_wait3A_367 = tpu.memref_squeeze %dma_wait3A_366 : memref<1x128x128xf32, #tpu.memory_space<vmem>> -> memref<128x128xf32, #tpu.memory_space<vmem>>
        %dma_wait3A_368 = arith.constant 0 : i32
        %dma_wait3A_369 = tpu.memref_slice %arg4[%add3A_361, %dma_wait3A_368] : memref<917504x128xf32, #tpu.memory_space<hbm>> -> memref<128x128xf32, #tpu.memory_space<hbm>>
        %dma_wait3A_370 = tpu.memref_slice %arg9[%dma_wait3A_363] : memref<4x!tpu.dma_semaphore, #tpu.memory_space<semaphore_mem>> -> memref<1x!tpu.dma_semaphore, #tpu.memory_space<semaphore_mem>>
        %dma_wait3A_371 = tpu.memref_squeeze %dma_wait3A_370 : memref<1x!tpu.dma_semaphore, #tpu.memory_space<semaphore_mem>> -> memref<!tpu.dma_semaphore, #tpu.memory_space<semaphore_mem>>
        %dma_wait3A_372 = arith.constant 0 : i32
        %dma_wait3A_373 = tpu.memref_slice %arg4[%add3A_361, %dma_wait3A_372] : memref<917504x128xf32, #tpu.memory_space<hbm>> -> memref<128x128xf32, #tpu.memory_space<hbm>>
        %dma_wait3A_374 = arith.constant 0 : i32
        %dma_wait3A_375 = arith.constant 0 : i32
        %dma_wait3A_376 = tpu.memref_slice %arg6[%dma_wait3A_362, %dma_wait3A_374, %dma_wait3A_375] : memref<4x128x128xf32, #tpu.memory_space<vmem>> -> memref<1x128x128xf32, #tpu.memory_space<vmem>>
        %dma_wait3A_377 = tpu.memref_squeeze %dma_wait3A_376 : memref<1x128x128xf32, #tpu.memory_space<vmem>> -> memref<128x128xf32, #tpu.memory_space<vmem>>
        tpu.wait_dma2 semaphore(%dma_wait3A_371 : memref<!tpu.dma_semaphore, #tpu.memory_space<semaphore_mem>>) src(%dma_wait3A_377 : memref<128x128xf32, #tpu.memory_space<vmem>>) dst(%dma_wait3A_373 : memref<128x128xf32, #tpu.memory_space<hbm>>)
      } else {
      }
      %dma_start3A_230 = arith.constant 1 : i32
      %dma_start3A_231 = arith.constant 1 : i32
      %dma_start3A_232 = arith.constant 1 : i32
      %dma_start3A_233 = arith.constant 0 : i32
      %dma_start3A_234 = arith.constant 0 : i32
      %dma_start3A_235 = tpu.memref_slice %arg6[%dma_start3A_231, %dma_start3A_233, %dma_start3A_234] : memref<4x128x128xf32, #tpu.memory_space<vmem>> -> memref<1x128x128xf32, #tpu.memory_space<vmem>>
      %dma_start3A_236 = tpu.memref_squeeze %dma_start3A_235 : memref<1x128x128xf32, #tpu.memory_space<vmem>> -> memref<128x128xf32, #tpu.memory_space<vmem>>
      %dma_start3A_237 = arith.constant 0 : i32
      %dma_start3A_238 = tpu.memref_slice %arg5[%dma_start3A_230, %dma_start3A_237] : memref<4x128xi32, #tpu.memory_space<vmem>> -> memref<1x128xi32, #tpu.memory_space<vmem>>
      %dma_start3A_239 = tpu.memref_squeeze %dma_start3A_238 : memref<1x128xi32, #tpu.memory_space<vmem>> -> memref<128xi32, #tpu.memory_space<vmem>>
      %dma_start3A_240 = arith.constant 0 : i32
      %dma_start3A_241 = arith.constant 0 : i32
      %dma_start3A_242 = tpu.memref_slice %arg2[%dma_start3A_240, %dma_start3A_241] : memref<1000000x128xf32, #tpu.memory_space<hbm>> -> memref<1000000x128xf32, #tpu.memory_space<hbm>>
      %dma_start3A_243 = arith.constant -1 : i32
      %dma_start3A_244 = tpu.memref_slice %arg8[%dma_start3A_232] : memref<4x!tpu.dma_semaphore, #tpu.memory_space<semaphore_mem>> -> memref<1x!tpu.dma_semaphore, #tpu.memory_space<semaphore_mem>>
      %dma_start3A_245 = tpu.memref_squeeze %dma_start3A_244 : memref<1x!tpu.dma_semaphore, #tpu.memory_space<semaphore_mem>> -> memref<!tpu.dma_semaphore, #tpu.memory_space<semaphore_mem>>
      tpu.enqueue_indirect_dma source(%dma_start3A_242 : memref<1000000x128xf32, #tpu.memory_space<hbm>>) target(%dma_start3A_236 : memref<128x128xf32, #tpu.memory_space<vmem>>) offsets(%dma_start3A_239 : memref<128xi32, #tpu.memory_space<vmem>>) offset_filter(%dma_start3A_243) semaphore(%dma_start3A_245 : memref<!tpu.dma_semaphore, #tpu.memory_space<semaphore_mem>>)
      %add3A_246 = arith.constant 1 : i32
      %add3A_247 = arith.addi %add3A_209, %add3A_246 : i32
      %lt3A_248 = arith.constant 224 : i32
      %lt3A_249 = arith.cmpi slt, %add3A_247, %lt3A_248 : i32
      %convert_element_type3A_250 = arith.extui %lt3A_249 : i1 to i32
      %cond3A_251 = arith.constant 0 : i32
      %cond3A_252 = arith.cmpi ne, %convert_element_type3A_250, %cond3A_251 : i32
      scf.if %cond3A_252 {
        %add3A_358 = arith.constant 1 : i32
        %add3A_359 = arith.addi %add3A_209, %add3A_358 : i32
        %mul3A_360 = arith.constant 128 : i32
        %mul3A_361 = arith.muli %add3A_359, %mul3A_360 : i32
        %add3A_362 = arith.addi %mul3A_2, %mul3A_361 : i32
        %dma_start3A_363 = arith.constant 2 : i32
        %dma_start3A_364 = arith.constant 2 : i32
        %dma_start3A_365 = arith.constant 0 : i32
        %dma_start3A_366 = tpu.memref_slice %arg5[%dma_start3A_363, %dma_start3A_365] : memref<4x128xi32, #tpu.memory_space<vmem>> -> memref<1x128xi32, #tpu.memory_space<vmem>>
        %dma_start3A_367 = tpu.memref_squeeze %dma_start3A_366 : memref<1x128xi32, #tpu.memory_space<vmem>> -> memref<128xi32, #tpu.memory_space<vmem>>
        %dma_start3A_368 = tpu.memref_slice %arg3[%add3A_362] : memref<917504xi32, #tpu.memory_space<hbm>> -> memref<128xi32, #tpu.memory_space<hbm>>
        %dma_start3A_369 = tpu.memref_slice %arg7[%dma_start3A_364] : memref<4x!tpu.dma_semaphore, #tpu.memory_space<semaphore_mem>> -> memref<1x!tpu.dma_semaphore, #tpu.memory_space<semaphore_mem>>
        %dma_start3A_370 = tpu.memref_squeeze %dma_start3A_369 : memref<1x!tpu.dma_semaphore, #tpu.memory_space<semaphore_mem>> -> memref<!tpu.dma_semaphore, #tpu.memory_space<semaphore_mem>>
        %dma_start3A_371 = arith.constant 0 : i32
        %dma_start3A_372 = tpu.memref_slice %arg5[%dma_start3A_363, %dma_start3A_371] : memref<4x128xi32, #tpu.memory_space<vmem>> -> memref<1x128xi32, #tpu.memory_space<vmem>>
        %dma_start3A_373 = tpu.memref_squeeze %dma_start3A_372 : memref<1x128xi32, #tpu.memory_space<vmem>> -> memref<128xi32, #tpu.memory_space<vmem>>
        %dma_start3A_374 = tpu.memref_slice %arg3[%add3A_362] : memref<917504xi32, #tpu.memory_space<hbm>> -> memref<128xi32, #tpu.memory_space<hbm>>
        tpu.enqueue_dma source(%dma_start3A_374 : memref<128xi32, #tpu.memory_space<hbm>>) target(%dma_start3A_373 : memref<128xi32, #tpu.memory_space<vmem>>) target_semaphore(%dma_start3A_370 : memref<!tpu.dma_semaphore, #tpu.memory_space<semaphore_mem>>)
      } else {
      }
      %ge3A_253 = arith.constant 2 : i32
      %ge3A_254 = arith.cmpi sge, %add3A_209, %ge3A_253 : i32
      %convert_element_type3A_255 = arith.extui %ge3A_254 : i1 to i32
      %cond3A_256 = arith.constant 0 : i32
      %cond3A_257 = arith.cmpi ne, %convert_element_type3A_255, %cond3A_256 : i32
      scf.if %cond3A_257 {
        %dma_wait3A_358 = arith.constant 3 : i32
        %dma_wait3A_359 = arith.constant 3 : i32
        %dma_wait3A_360 = arith.constant 3 : i32
        %dma_wait3A_361 = arith.constant 0 : i32
        %dma_wait3A_362 = arith.constant 0 : i32
        %dma_wait3A_363 = tpu.memref_slice %arg6[%dma_wait3A_359, %dma_wait3A_361, %dma_wait3A_362] : memref<4x128x128xf32, #tpu.memory_space<vmem>> -> memref<1x128x128xf32, #tpu.memory_space<vmem>>
        %dma_wait3A_364 = tpu.memref_squeeze %dma_wait3A_363 : memref<1x128x128xf32, #tpu.memory_space<vmem>> -> memref<128x128xf32, #tpu.memory_space<vmem>>
        %dma_wait3A_365 = arith.constant 0 : i32
        %dma_wait3A_366 = tpu.memref_slice %arg5[%dma_wait3A_358, %dma_wait3A_365] : memref<4x128xi32, #tpu.memory_space<vmem>> -> memref<1x128xi32, #tpu.memory_space<vmem>>
        %dma_wait3A_367 = tpu.memref_squeeze %dma_wait3A_366 : memref<1x128xi32, #tpu.memory_space<vmem>> -> memref<128xi32, #tpu.memory_space<vmem>>
        %dma_wait3A_368 = arith.constant 0 : i32
        %dma_wait3A_369 = arith.constant 0 : i32
        %dma_wait3A_370 = tpu.memref_slice %arg2[%dma_wait3A_368, %dma_wait3A_369] : memref<1000000x128xf32, #tpu.memory_space<hbm>> -> memref<1000000x128xf32, #tpu.memory_space<hbm>>
        %dma_wait3A_371 = tpu.memref_slice %arg8[%dma_wait3A_360] : memref<4x!tpu.dma_semaphore, #tpu.memory_space<semaphore_mem>> -> memref<1x!tpu.dma_semaphore, #tpu.memory_space<semaphore_mem>>
        %dma_wait3A_372 = tpu.memref_squeeze %dma_wait3A_371 : memref<1x!tpu.dma_semaphore, #tpu.memory_space<semaphore_mem>> -> memref<!tpu.dma_semaphore, #tpu.memory_space<semaphore_mem>>
        tpu.wait_indirect_dma semaphore(%dma_wait3A_372 : memref<!tpu.dma_semaphore, #tpu.memory_space<semaphore_mem>>) src(%dma_wait3A_370 : memref<1000000x128xf32, #tpu.memory_space<hbm>>) dst(%dma_wait3A_364 : memref<128x128xf32, #tpu.memory_space<vmem>>)
        %sub3A = arith.constant 2 : i32
        %sub3A_373 = arith.subi %add3A_209, %sub3A : i32
        %mul3A_374 = arith.constant 128 : i32
        %mul3A_375 = arith.muli %sub3A_373, %mul3A_374 : i32
        %add3A_376 = arith.addi %mul3A_2, %mul3A_375 : i32
        %dma_start3A_377 = arith.constant 3 : i32
        %dma_start3A_378 = arith.constant 3 : i32
        %dma_start3A_379 = arith.constant 0 : i32
        %dma_start3A_380 = arith.constant 0 : i32
        %dma_start3A_381 = tpu.memref_slice %arg6[%dma_start3A_377, %dma_start3A_379, %dma_start3A_380] : memref<4x128x128xf32, #tpu.memory_space<vmem>> -> memref<1x128x128xf32, #tpu.memory_space<vmem>>
        %dma_start3A_382 = tpu.memref_squeeze %dma_start3A_381 : memref<1x128x128xf32, #tpu.memory_space<vmem>> -> memref<128x128xf32, #tpu.memory_space<vmem>>
        %dma_start3A_383 = arith.constant 0 : i32
        %dma_start3A_384 = tpu.memref_slice %arg4[%add3A_376, %dma_start3A_383] : memref<917504x128xf32, #tpu.memory_space<hbm>> -> memref<128x128xf32, #tpu.memory_space<hbm>>
        %dma_start3A_385 = tpu.memref_slice %arg9[%dma_start3A_378] : memref<4x!tpu.dma_semaphore, #tpu.memory_space<semaphore_mem>> -> memref<1x!tpu.dma_semaphore, #tpu.memory_space<semaphore_mem>>
        %dma_start3A_386 = tpu.memref_squeeze %dma_start3A_385 : memref<1x!tpu.dma_semaphore, #tpu.memory_space<semaphore_mem>> -> memref<!tpu.dma_semaphore, #tpu.memory_space<semaphore_mem>>
        %dma_start3A_387 = arith.constant 0 : i32
        %dma_start3A_388 = tpu.memref_slice %arg4[%add3A_376, %dma_start3A_387] : memref<917504x128xf32, #tpu.memory_space<hbm>> -> memref<128x128xf32, #tpu.memory_space<hbm>>
        %dma_start3A_389 = arith.constant 0 : i32
        %dma_start3A_390 = arith.constant 0 : i32
        %dma_start3A_391 = tpu.memref_slice %arg6[%dma_start3A_377, %dma_start3A_389, %dma_start3A_390] : memref<4x128x128xf32, #tpu.memory_space<vmem>> -> memref<1x128x128xf32, #tpu.memory_space<vmem>>
        %dma_start3A_392 = tpu.memref_squeeze %dma_start3A_391 : memref<1x128x128xf32, #tpu.memory_space<vmem>> -> memref<128x128xf32, #tpu.memory_space<vmem>>
        tpu.enqueue_dma source(%dma_start3A_392 : memref<128x128xf32, #tpu.memory_space<vmem>>) target(%dma_start3A_388 : memref<128x128xf32, #tpu.memory_space<hbm>>) target_semaphore(%dma_start3A_386 : memref<!tpu.dma_semaphore, #tpu.memory_space<semaphore_mem>>)
      } else {
      }
      %add3A_258 = arith.constant 2 : i32
      %add3A_259 = arith.addi %add3A_161, %add3A_258 : i32
      %mul3A_260 = arith.constant 128 : i32
      %mul3A_261 = arith.muli %add3A_259, %mul3A_260 : i32
      %add3A_262 = arith.addi %mul3A_2, %mul3A_261 : i32
      %dma_wait3A_263 = arith.constant 2 : i32
      %dma_wait3A_264 = arith.constant 2 : i32
      %dma_wait3A_265 = arith.constant 0 : i32
      %dma_wait3A_266 = tpu.memref_slice %arg5[%dma_wait3A_263, %dma_wait3A_265] : memref<4x128xi32, #tpu.memory_space<vmem>> -> memref<1x128xi32, #tpu.memory_space<vmem>>
      %dma_wait3A_267 = tpu.memref_squeeze %dma_wait3A_266 : memref<1x128xi32, #tpu.memory_space<vmem>> -> memref<128xi32, #tpu.memory_space<vmem>>
      %dma_wait3A_268 = tpu.memref_slice %arg3[%add3A_262] : memref<917504xi32, #tpu.memory_space<hbm>> -> memref<128xi32, #tpu.memory_space<hbm>>
      %dma_wait3A_269 = tpu.memref_slice %arg7[%dma_wait3A_264] : memref<4x!tpu.dma_semaphore, #tpu.memory_space<semaphore_mem>> -> memref<1x!tpu.dma_semaphore, #tpu.memory_space<semaphore_mem>>
      %dma_wait3A_270 = tpu.memref_squeeze %dma_wait3A_269 : memref<1x!tpu.dma_semaphore, #tpu.memory_space<semaphore_mem>> -> memref<!tpu.dma_semaphore, #tpu.memory_space<semaphore_mem>>
      %dma_wait3A_271 = arith.constant 0 : i32
      %dma_wait3A_272 = tpu.memref_slice %arg5[%dma_wait3A_263, %dma_wait3A_271] : memref<4x128xi32, #tpu.memory_space<vmem>> -> memref<1x128xi32, #tpu.memory_space<vmem>>
      %dma_wait3A_273 = tpu.memref_squeeze %dma_wait3A_272 : memref<1x128xi32, #tpu.memory_space<vmem>> -> memref<128xi32, #tpu.memory_space<vmem>>
      %dma_wait3A_274 = tpu.memref_slice %arg3[%add3A_262] : memref<917504xi32, #tpu.memory_space<hbm>> -> memref<128xi32, #tpu.memory_space<hbm>>
      tpu.wait_dma2 semaphore(%dma_wait3A_270 : memref<!tpu.dma_semaphore, #tpu.memory_space<semaphore_mem>>) src(%dma_wait3A_274 : memref<128xi32, #tpu.memory_space<hbm>>) dst(%dma_wait3A_273 : memref<128xi32, #tpu.memory_space<vmem>>)
      %ge3A_275 = arith.constant 4 : i32
      %ge3A_276 = arith.cmpi sge, %add3A_259, %ge3A_275 : i32
      %convert_element_type3A_277 = arith.extui %ge3A_276 : i1 to i32
      %cond3A_278 = arith.constant 0 : i32
      %cond3A_279 = arith.cmpi ne, %convert_element_type3A_277, %cond3A_278 : i32
      scf.if %cond3A_279 {
        %sub3A = arith.constant 4 : i32
        %sub3A_358 = arith.subi %add3A_259, %sub3A : i32
        %mul3A_359 = arith.constant 128 : i32
        %mul3A_360 = arith.muli %sub3A_358, %mul3A_359 : i32
        %add3A_361 = arith.addi %mul3A_2, %mul3A_360 : i32
        %dma_wait3A_362 = arith.constant 2 : i32
        %dma_wait3A_363 = arith.constant 2 : i32
        %dma_wait3A_364 = arith.constant 0 : i32
        %dma_wait3A_365 = arith.constant 0 : i32
        %dma_wait3A_366 = tpu.memref_slice %arg6[%dma_wait3A_362, %dma_wait3A_364, %dma_wait3A_365] : memref<4x128x128xf32, #tpu.memory_space<vmem>> -> memref<1x128x128xf32, #tpu.memory_space<vmem>>
        %dma_wait3A_367 = tpu.memref_squeeze %dma_wait3A_366 : memref<1x128x128xf32, #tpu.memory_space<vmem>> -> memref<128x128xf32, #tpu.memory_space<vmem>>
        %dma_wait3A_368 = arith.constant 0 : i32
        %dma_wait3A_369 = tpu.memref_slice %arg4[%add3A_361, %dma_wait3A_368] : memref<917504x128xf32, #tpu.memory_space<hbm>> -> memref<128x128xf32, #tpu.memory_space<hbm>>
        %dma_wait3A_370 = tpu.memref_slice %arg9[%dma_wait3A_363] : memref<4x!tpu.dma_semaphore, #tpu.memory_space<semaphore_mem>> -> memref<1x!tpu.dma_semaphore, #tpu.memory_space<semaphore_mem>>
        %dma_wait3A_371 = tpu.memref_squeeze %dma_wait3A_370 : memref<1x!tpu.dma_semaphore, #tpu.memory_space<semaphore_mem>> -> memref<!tpu.dma_semaphore, #tpu.memory_space<semaphore_mem>>
        %dma_wait3A_372 = arith.constant 0 : i32
        %dma_wait3A_373 = tpu.memref_slice %arg4[%add3A_361, %dma_wait3A_372] : memref<917504x128xf32, #tpu.memory_space<hbm>> -> memref<128x128xf32, #tpu.memory_space<hbm>>
        %dma_wait3A_374 = arith.constant 0 : i32
        %dma_wait3A_375 = arith.constant 0 : i32
        %dma_wait3A_376 = tpu.memref_slice %arg6[%dma_wait3A_362, %dma_wait3A_374, %dma_wait3A_375] : memref<4x128x128xf32, #tpu.memory_space<vmem>> -> memref<1x128x128xf32, #tpu.memory_space<vmem>>
        %dma_wait3A_377 = tpu.memref_squeeze %dma_wait3A_376 : memref<1x128x128xf32, #tpu.memory_space<vmem>> -> memref<128x128xf32, #tpu.memory_space<vmem>>
        tpu.wait_dma2 semaphore(%dma_wait3A_371 : memref<!tpu.dma_semaphore, #tpu.memory_space<semaphore_mem>>) src(%dma_wait3A_377 : memref<128x128xf32, #tpu.memory_space<vmem>>) dst(%dma_wait3A_373 : memref<128x128xf32, #tpu.memory_space<hbm>>)
      } else {
      }
      %dma_start3A_280 = arith.constant 2 : i32
      %dma_start3A_281 = arith.constant 2 : i32
      %dma_start3A_282 = arith.constant 2 : i32
      %dma_start3A_283 = arith.constant 0 : i32
      %dma_start3A_284 = arith.constant 0 : i32
      %dma_start3A_285 = tpu.memref_slice %arg6[%dma_start3A_281, %dma_start3A_283, %dma_start3A_284] : memref<4x128x128xf32, #tpu.memory_space<vmem>> -> memref<1x128x128xf32, #tpu.memory_space<vmem>>
      %dma_start3A_286 = tpu.memref_squeeze %dma_start3A_285 : memref<1x128x128xf32, #tpu.memory_space<vmem>> -> memref<128x128xf32, #tpu.memory_space<vmem>>
      %dma_start3A_287 = arith.constant 0 : i32
      %dma_start3A_288 = tpu.memref_slice %arg5[%dma_start3A_280, %dma_start3A_287] : memref<4x128xi32, #tpu.memory_space<vmem>> -> memref<1x128xi32, #tpu.memory_space<vmem>>
      %dma_start3A_289 = tpu.memref_squeeze %dma_start3A_288 : memref<1x128xi32, #tpu.memory_space<vmem>> -> memref<128xi32, #tpu.memory_space<vmem>>
      %dma_start3A_290 = arith.constant 0 : i32
      %dma_start3A_291 = arith.constant 0 : i32
      %dma_start3A_292 = tpu.memref_slice %arg2[%dma_start3A_290, %dma_start3A_291] : memref<1000000x128xf32, #tpu.memory_space<hbm>> -> memref<1000000x128xf32, #tpu.memory_space<hbm>>
      %dma_start3A_293 = arith.constant -1 : i32
      %dma_start3A_294 = tpu.memref_slice %arg8[%dma_start3A_282] : memref<4x!tpu.dma_semaphore, #tpu.memory_space<semaphore_mem>> -> memref<1x!tpu.dma_semaphore, #tpu.memory_space<semaphore_mem>>
      %dma_start3A_295 = tpu.memref_squeeze %dma_start3A_294 : memref<1x!tpu.dma_semaphore, #tpu.memory_space<semaphore_mem>> -> memref<!tpu.dma_semaphore, #tpu.memory_space<semaphore_mem>>
      tpu.enqueue_indirect_dma source(%dma_start3A_292 : memref<1000000x128xf32, #tpu.memory_space<hbm>>) target(%dma_start3A_286 : memref<128x128xf32, #tpu.memory_space<vmem>>) offsets(%dma_start3A_289 : memref<128xi32, #tpu.memory_space<vmem>>) offset_filter(%dma_start3A_293) semaphore(%dma_start3A_295 : memref<!tpu.dma_semaphore, #tpu.memory_space<semaphore_mem>>)
      %add3A_296 = arith.constant 1 : i32
      %add3A_297 = arith.addi %add3A_259, %add3A_296 : i32
      %lt3A_298 = arith.constant 224 : i32
      %lt3A_299 = arith.cmpi slt, %add3A_297, %lt3A_298 : i32
      %convert_element_type3A_300 = arith.extui %lt3A_299 : i1 to i32
      %cond3A_301 = arith.constant 0 : i32
      %cond3A_302 = arith.cmpi ne, %convert_element_type3A_300, %cond3A_301 : i32
      scf.if %cond3A_302 {
        %add3A_358 = arith.constant 1 : i32
        %add3A_359 = arith.addi %add3A_259, %add3A_358 : i32
        %mul3A_360 = arith.constant 128 : i32
        %mul3A_361 = arith.muli %add3A_359, %mul3A_360 : i32
        %add3A_362 = arith.addi %mul3A_2, %mul3A_361 : i32
        %dma_start3A_363 = arith.constant 3 : i32
        %dma_start3A_364 = arith.constant 3 : i32
        %dma_start3A_365 = arith.constant 0 : i32
        %dma_start3A_366 = tpu.memref_slice %arg5[%dma_start3A_363, %dma_start3A_365] : memref<4x128xi32, #tpu.memory_space<vmem>> -> memref<1x128xi32, #tpu.memory_space<vmem>>
        %dma_start3A_367 = tpu.memref_squeeze %dma_start3A_366 : memref<1x128xi32, #tpu.memory_space<vmem>> -> memref<128xi32, #tpu.memory_space<vmem>>
        %dma_start3A_368 = tpu.memref_slice %arg3[%add3A_362] : memref<917504xi32, #tpu.memory_space<hbm>> -> memref<128xi32, #tpu.memory_space<hbm>>
        %dma_start3A_369 = tpu.memref_slice %arg7[%dma_start3A_364] : memref<4x!tpu.dma_semaphore, #tpu.memory_space<semaphore_mem>> -> memref<1x!tpu.dma_semaphore, #tpu.memory_space<semaphore_mem>>
        %dma_start3A_370 = tpu.memref_squeeze %dma_start3A_369 : memref<1x!tpu.dma_semaphore, #tpu.memory_space<semaphore_mem>> -> memref<!tpu.dma_semaphore, #tpu.memory_space<semaphore_mem>>
        %dma_start3A_371 = arith.constant 0 : i32
        %dma_start3A_372 = tpu.memref_slice %arg5[%dma_start3A_363, %dma_start3A_371] : memref<4x128xi32, #tpu.memory_space<vmem>> -> memref<1x128xi32, #tpu.memory_space<vmem>>
        %dma_start3A_373 = tpu.memref_squeeze %dma_start3A_372 : memref<1x128xi32, #tpu.memory_space<vmem>> -> memref<128xi32, #tpu.memory_space<vmem>>
        %dma_start3A_374 = tpu.memref_slice %arg3[%add3A_362] : memref<917504xi32, #tpu.memory_space<hbm>> -> memref<128xi32, #tpu.memory_space<hbm>>
        tpu.enqueue_dma source(%dma_start3A_374 : memref<128xi32, #tpu.memory_space<hbm>>) target(%dma_start3A_373 : memref<128xi32, #tpu.memory_space<vmem>>) target_semaphore(%dma_start3A_370 : memref<!tpu.dma_semaphore, #tpu.memory_space<semaphore_mem>>)
      } else {
      }
      %ge3A_303 = arith.constant 2 : i32
      %ge3A_304 = arith.cmpi sge, %add3A_259, %ge3A_303 : i32
      %convert_element_type3A_305 = arith.extui %ge3A_304 : i1 to i32
      %cond3A_306 = arith.constant 0 : i32
      %cond3A_307 = arith.cmpi ne, %convert_element_type3A_305, %cond3A_306 : i32
      scf.if %cond3A_307 {
        %dma_wait3A_358 = arith.constant 0 : i32
        %dma_wait3A_359 = arith.constant 0 : i32
        %dma_wait3A_360 = arith.constant 0 : i32
        %dma_wait3A_361 = arith.constant 0 : i32
        %dma_wait3A_362 = arith.constant 0 : i32
        %dma_wait3A_363 = tpu.memref_slice %arg6[%dma_wait3A_359, %dma_wait3A_361, %dma_wait3A_362] : memref<4x128x128xf32, #tpu.memory_space<vmem>> -> memref<1x128x128xf32, #tpu.memory_space<vmem>>
        %dma_wait3A_364 = tpu.memref_squeeze %dma_wait3A_363 : memref<1x128x128xf32, #tpu.memory_space<vmem>> -> memref<128x128xf32, #tpu.memory_space<vmem>>
        %dma_wait3A_365 = arith.constant 0 : i32
        %dma_wait3A_366 = tpu.memref_slice %arg5[%dma_wait3A_358, %dma_wait3A_365] : memref<4x128xi32, #tpu.memory_space<vmem>> -> memref<1x128xi32, #tpu.memory_space<vmem>>
        %dma_wait3A_367 = tpu.memref_squeeze %dma_wait3A_366 : memref<1x128xi32, #tpu.memory_space<vmem>> -> memref<128xi32, #tpu.memory_space<vmem>>
        %dma_wait3A_368 = arith.constant 0 : i32
        %dma_wait3A_369 = arith.constant 0 : i32
        %dma_wait3A_370 = tpu.memref_slice %arg2[%dma_wait3A_368, %dma_wait3A_369] : memref<1000000x128xf32, #tpu.memory_space<hbm>> -> memref<1000000x128xf32, #tpu.memory_space<hbm>>
        %dma_wait3A_371 = tpu.memref_slice %arg8[%dma_wait3A_360] : memref<4x!tpu.dma_semaphore, #tpu.memory_space<semaphore_mem>> -> memref<1x!tpu.dma_semaphore, #tpu.memory_space<semaphore_mem>>
        %dma_wait3A_372 = tpu.memref_squeeze %dma_wait3A_371 : memref<1x!tpu.dma_semaphore, #tpu.memory_space<semaphore_mem>> -> memref<!tpu.dma_semaphore, #tpu.memory_space<semaphore_mem>>
        tpu.wait_indirect_dma semaphore(%dma_wait3A_372 : memref<!tpu.dma_semaphore, #tpu.memory_space<semaphore_mem>>) src(%dma_wait3A_370 : memref<1000000x128xf32, #tpu.memory_space<hbm>>) dst(%dma_wait3A_364 : memref<128x128xf32, #tpu.memory_space<vmem>>)
        %sub3A = arith.constant 2 : i32
        %sub3A_373 = arith.subi %add3A_259, %sub3A : i32
        %mul3A_374 = arith.constant 128 : i32
        %mul3A_375 = arith.muli %sub3A_373, %mul3A_374 : i32
        %add3A_376 = arith.addi %mul3A_2, %mul3A_375 : i32
        %dma_start3A_377 = arith.constant 0 : i32
        %dma_start3A_378 = arith.constant 0 : i32
        %dma_start3A_379 = arith.constant 0 : i32
        %dma_start3A_380 = arith.constant 0 : i32
        %dma_start3A_381 = tpu.memref_slice %arg6[%dma_start3A_377, %dma_start3A_379, %dma_start3A_380] : memref<4x128x128xf32, #tpu.memory_space<vmem>> -> memref<1x128x128xf32, #tpu.memory_space<vmem>>
        %dma_start3A_382 = tpu.memref_squeeze %dma_start3A_381 : memref<1x128x128xf32, #tpu.memory_space<vmem>> -> memref<128x128xf32, #tpu.memory_space<vmem>>
        %dma_start3A_383 = arith.constant 0 : i32
        %dma_start3A_384 = tpu.memref_slice %arg4[%add3A_376, %dma_start3A_383] : memref<917504x128xf32, #tpu.memory_space<hbm>> -> memref<128x128xf32, #tpu.memory_space<hbm>>
        %dma_start3A_385 = tpu.memref_slice %arg9[%dma_start3A_378] : memref<4x!tpu.dma_semaphore, #tpu.memory_space<semaphore_mem>> -> memref<1x!tpu.dma_semaphore, #tpu.memory_space<semaphore_mem>>
        %dma_start3A_386 = tpu.memref_squeeze %dma_start3A_385 : memref<1x!tpu.dma_semaphore, #tpu.memory_space<semaphore_mem>> -> memref<!tpu.dma_semaphore, #tpu.memory_space<semaphore_mem>>
        %dma_start3A_387 = arith.constant 0 : i32
        %dma_start3A_388 = tpu.memref_slice %arg4[%add3A_376, %dma_start3A_387] : memref<917504x128xf32, #tpu.memory_space<hbm>> -> memref<128x128xf32, #tpu.memory_space<hbm>>
        %dma_start3A_389 = arith.constant 0 : i32
        %dma_start3A_390 = arith.constant 0 : i32
        %dma_start3A_391 = tpu.memref_slice %arg6[%dma_start3A_377, %dma_start3A_389, %dma_start3A_390] : memref<4x128x128xf32, #tpu.memory_space<vmem>> -> memref<1x128x128xf32, #tpu.memory_space<vmem>>
        %dma_start3A_392 = tpu.memref_squeeze %dma_start3A_391 : memref<1x128x128xf32, #tpu.memory_space<vmem>> -> memref<128x128xf32, #tpu.memory_space<vmem>>
        tpu.enqueue_dma source(%dma_start3A_392 : memref<128x128xf32, #tpu.memory_space<vmem>>) target(%dma_start3A_388 : memref<128x128xf32, #tpu.memory_space<hbm>>) target_semaphore(%dma_start3A_386 : memref<!tpu.dma_semaphore, #tpu.memory_space<semaphore_mem>>)
      } else {
      }
      %add3A_308 = arith.constant 3 : i32
      %add3A_309 = arith.addi %add3A_161, %add3A_308 : i32
      %mul3A_310 = arith.constant 128 : i32
      %mul3A_311 = arith.muli %add3A_309, %mul3A_310 : i32
      %add3A_312 = arith.addi %mul3A_2, %mul3A_311 : i32
      %dma_wait3A_313 = arith.constant 3 : i32
      %dma_wait3A_314 = arith.constant 3 : i32
      %dma_wait3A_315 = arith.constant 0 : i32
      %dma_wait3A_316 = tpu.memref_slice %arg5[%dma_wait3A_313, %dma_wait3A_315] : memref<4x128xi32, #tpu.memory_space<vmem>> -> memref<1x128xi32, #tpu.memory_space<vmem>>
      %dma_wait3A_317 = tpu.memref_squeeze %dma_wait3A_316 : memref<1x128xi32, #tpu.memory_space<vmem>> -> memref<128xi32, #tpu.memory_space<vmem>>
      %dma_wait3A_318 = tpu.memref_slice %arg3[%add3A_312] : memref<917504xi32, #tpu.memory_space<hbm>> -> memref<128xi32, #tpu.memory_space<hbm>>
      %dma_wait3A_319 = tpu.memref_slice %arg7[%dma_wait3A_314] : memref<4x!tpu.dma_semaphore, #tpu.memory_space<semaphore_mem>> -> memref<1x!tpu.dma_semaphore, #tpu.memory_space<semaphore_mem>>
      %dma_wait3A_320 = tpu.memref_squeeze %dma_wait3A_319 : memref<1x!tpu.dma_semaphore, #tpu.memory_space<semaphore_mem>> -> memref<!tpu.dma_semaphore, #tpu.memory_space<semaphore_mem>>
      %dma_wait3A_321 = arith.constant 0 : i32
      %dma_wait3A_322 = tpu.memref_slice %arg5[%dma_wait3A_313, %dma_wait3A_321] : memref<4x128xi32, #tpu.memory_space<vmem>> -> memref<1x128xi32, #tpu.memory_space<vmem>>
      %dma_wait3A_323 = tpu.memref_squeeze %dma_wait3A_322 : memref<1x128xi32, #tpu.memory_space<vmem>> -> memref<128xi32, #tpu.memory_space<vmem>>
      %dma_wait3A_324 = tpu.memref_slice %arg3[%add3A_312] : memref<917504xi32, #tpu.memory_space<hbm>> -> memref<128xi32, #tpu.memory_space<hbm>>
      tpu.wait_dma2 semaphore(%dma_wait3A_320 : memref<!tpu.dma_semaphore, #tpu.memory_space<semaphore_mem>>) src(%dma_wait3A_324 : memref<128xi32, #tpu.memory_space<hbm>>) dst(%dma_wait3A_323 : memref<128xi32, #tpu.memory_space<vmem>>)
      %ge3A_325 = arith.constant 4 : i32
      %ge3A_326 = arith.cmpi sge, %add3A_309, %ge3A_325 : i32
      %convert_element_type3A_327 = arith.extui %ge3A_326 : i1 to i32
      %cond3A_328 = arith.constant 0 : i32
      %cond3A_329 = arith.cmpi ne, %convert_element_type3A_327, %cond3A_328 : i32
      scf.if %cond3A_329 {
        %sub3A = arith.constant 4 : i32
        %sub3A_358 = arith.subi %add3A_309, %sub3A : i32
        %mul3A_359 = arith.constant 128 : i32
        %mul3A_360 = arith.muli %sub3A_358, %mul3A_359 : i32
        %add3A_361 = arith.addi %mul3A_2, %mul3A_360 : i32
        %dma_wait3A_362 = arith.constant 3 : i32
        %dma_wait3A_363 = arith.constant 3 : i32
        %dma_wait3A_364 = arith.constant 0 : i32
        %dma_wait3A_365 = arith.constant 0 : i32
        %dma_wait3A_366 = tpu.memref_slice %arg6[%dma_wait3A_362, %dma_wait3A_364, %dma_wait3A_365] : memref<4x128x128xf32, #tpu.memory_space<vmem>> -> memref<1x128x128xf32, #tpu.memory_space<vmem>>
        %dma_wait3A_367 = tpu.memref_squeeze %dma_wait3A_366 : memref<1x128x128xf32, #tpu.memory_space<vmem>> -> memref<128x128xf32, #tpu.memory_space<vmem>>
        %dma_wait3A_368 = arith.constant 0 : i32
        %dma_wait3A_369 = tpu.memref_slice %arg4[%add3A_361, %dma_wait3A_368] : memref<917504x128xf32, #tpu.memory_space<hbm>> -> memref<128x128xf32, #tpu.memory_space<hbm>>
        %dma_wait3A_370 = tpu.memref_slice %arg9[%dma_wait3A_363] : memref<4x!tpu.dma_semaphore, #tpu.memory_space<semaphore_mem>> -> memref<1x!tpu.dma_semaphore, #tpu.memory_space<semaphore_mem>>
        %dma_wait3A_371 = tpu.memref_squeeze %dma_wait3A_370 : memref<1x!tpu.dma_semaphore, #tpu.memory_space<semaphore_mem>> -> memref<!tpu.dma_semaphore, #tpu.memory_space<semaphore_mem>>
        %dma_wait3A_372 = arith.constant 0 : i32
        %dma_wait3A_373 = tpu.memref_slice %arg4[%add3A_361, %dma_wait3A_372] : memref<917504x128xf32, #tpu.memory_space<hbm>> -> memref<128x128xf32, #tpu.memory_space<hbm>>
        %dma_wait3A_374 = arith.constant 0 : i32
        %dma_wait3A_375 = arith.constant 0 : i32
        %dma_wait3A_376 = tpu.memref_slice %arg6[%dma_wait3A_362, %dma_wait3A_374, %dma_wait3A_375] : memref<4x128x128xf32, #tpu.memory_space<vmem>> -> memref<1x128x128xf32, #tpu.memory_space<vmem>>
        %dma_wait3A_377 = tpu.memref_squeeze %dma_wait3A_376 : memref<1x128x128xf32, #tpu.memory_space<vmem>> -> memref<128x128xf32, #tpu.memory_space<vmem>>
        tpu.wait_dma2 semaphore(%dma_wait3A_371 : memref<!tpu.dma_semaphore, #tpu.memory_space<semaphore_mem>>) src(%dma_wait3A_377 : memref<128x128xf32, #tpu.memory_space<vmem>>) dst(%dma_wait3A_373 : memref<128x128xf32, #tpu.memory_space<hbm>>)
      } else {
      }
      %dma_start3A_330 = arith.constant 3 : i32
      %dma_start3A_331 = arith.constant 3 : i32
      %dma_start3A_332 = arith.constant 3 : i32
      %dma_start3A_333 = arith.constant 0 : i32
      %dma_start3A_334 = arith.constant 0 : i32
      %dma_start3A_335 = tpu.memref_slice %arg6[%dma_start3A_331, %dma_start3A_333, %dma_start3A_334] : memref<4x128x128xf32, #tpu.memory_space<vmem>> -> memref<1x128x128xf32, #tpu.memory_space<vmem>>
      %dma_start3A_336 = tpu.memref_squeeze %dma_start3A_335 : memref<1x128x128xf32, #tpu.memory_space<vmem>> -> memref<128x128xf32, #tpu.memory_space<vmem>>
      %dma_start3A_337 = arith.constant 0 : i32
      %dma_start3A_338 = tpu.memref_slice %arg5[%dma_start3A_330, %dma_start3A_337] : memref<4x128xi32, #tpu.memory_space<vmem>> -> memref<1x128xi32, #tpu.memory_space<vmem>>
      %dma_start3A_339 = tpu.memref_squeeze %dma_start3A_338 : memref<1x128xi32, #tpu.memory_space<vmem>> -> memref<128xi32, #tpu.memory_space<vmem>>
      %dma_start3A_340 = arith.constant 0 : i32
      %dma_start3A_341 = arith.constant 0 : i32
      %dma_start3A_342 = tpu.memref_slice %arg2[%dma_start3A_340, %dma_start3A_341] : memref<1000000x128xf32, #tpu.memory_space<hbm>> -> memref<1000000x128xf32, #tpu.memory_space<hbm>>
      %dma_start3A_343 = arith.constant -1 : i32
      %dma_start3A_344 = tpu.memref_slice %arg8[%dma_start3A_332] : memref<4x!tpu.dma_semaphore, #tpu.memory_space<semaphore_mem>> -> memref<1x!tpu.dma_semaphore, #tpu.memory_space<semaphore_mem>>
      %dma_start3A_345 = tpu.memref_squeeze %dma_start3A_344 : memref<1x!tpu.dma_semaphore, #tpu.memory_space<semaphore_mem>> -> memref<!tpu.dma_semaphore, #tpu.memory_space<semaphore_mem>>
      tpu.enqueue_indirect_dma source(%dma_start3A_342 : memref<1000000x128xf32, #tpu.memory_space<hbm>>) target(%dma_start3A_336 : memref<128x128xf32, #tpu.memory_space<vmem>>) offsets(%dma_start3A_339 : memref<128xi32, #tpu.memory_space<vmem>>) offset_filter(%dma_start3A_343) semaphore(%dma_start3A_345 : memref<!tpu.dma_semaphore, #tpu.memory_space<semaphore_mem>>)
      %add3A_346 = arith.constant 1 : i32
      %add3A_347 = arith.addi %add3A_309, %add3A_346 : i32
      %lt3A_348 = arith.constant 224 : i32
      %lt3A_349 = arith.cmpi slt, %add3A_347, %lt3A_348 : i32
      %convert_element_type3A_350 = arith.extui %lt3A_349 : i1 to i32
      %cond3A_351 = arith.constant 0 : i32
      %cond3A_352 = arith.cmpi ne, %convert_element_type3A_350, %cond3A_351 : i32
      scf.if %cond3A_352 {
        %add3A_358 = arith.constant 1 : i32
        %add3A_359 = arith.addi %add3A_309, %add3A_358 : i32
        %mul3A_360 = arith.constant 128 : i32
        %mul3A_361 = arith.muli %add3A_359, %mul3A_360 : i32
        %add3A_362 = arith.addi %mul3A_2, %mul3A_361 : i32
        %dma_start3A_363 = arith.constant 0 : i32
        %dma_start3A_364 = arith.constant 0 : i32
        %dma_start3A_365 = arith.constant 0 : i32
        %dma_start3A_366 = tpu.memref_slice %arg5[%dma_start3A_363, %dma_start3A_365] : memref<4x128xi32, #tpu.memory_space<vmem>> -> memref<1x128xi32, #tpu.memory_space<vmem>>
        %dma_start3A_367 = tpu.memref_squeeze %dma_start3A_366 : memref<1x128xi32, #tpu.memory_space<vmem>> -> memref<128xi32, #tpu.memory_space<vmem>>
        %dma_start3A_368 = tpu.memref_slice %arg3[%add3A_362] : memref<917504xi32, #tpu.memory_space<hbm>> -> memref<128xi32, #tpu.memory_space<hbm>>
        %dma_start3A_369 = tpu.memref_slice %arg7[%dma_start3A_364] : memref<4x!tpu.dma_semaphore, #tpu.memory_space<semaphore_mem>> -> memref<1x!tpu.dma_semaphore, #tpu.memory_space<semaphore_mem>>
        %dma_start3A_370 = tpu.memref_squeeze %dma_start3A_369 : memref<1x!tpu.dma_semaphore, #tpu.memory_space<semaphore_mem>> -> memref<!tpu.dma_semaphore, #tpu.memory_space<semaphore_mem>>
        %dma_start3A_371 = arith.constant 0 : i32
        %dma_start3A_372 = tpu.memref_slice %arg5[%dma_start3A_363, %dma_start3A_371] : memref<4x128xi32, #tpu.memory_space<vmem>> -> memref<1x128xi32, #tpu.memory_space<vmem>>
        %dma_start3A_373 = tpu.memref_squeeze %dma_start3A_372 : memref<1x128xi32, #tpu.memory_space<vmem>> -> memref<128xi32, #tpu.memory_space<vmem>>
        %dma_start3A_374 = tpu.memref_slice %arg3[%add3A_362] : memref<917504xi32, #tpu.memory_space<hbm>> -> memref<128xi32, #tpu.memory_space<hbm>>
        tpu.enqueue_dma source(%dma_start3A_374 : memref<128xi32, #tpu.memory_space<hbm>>) target(%dma_start3A_373 : memref<128xi32, #tpu.memory_space<vmem>>) target_semaphore(%dma_start3A_370 : memref<!tpu.dma_semaphore, #tpu.memory_space<semaphore_mem>>)
      } else {
      }
      %ge3A_353 = arith.constant 2 : i32
      %ge3A_354 = arith.cmpi sge, %add3A_309, %ge3A_353 : i32
      %convert_element_type3A_355 = arith.extui %ge3A_354 : i1 to i32
      %cond3A_356 = arith.constant 0 : i32
      %cond3A_357 = arith.cmpi ne, %convert_element_type3A_355, %cond3A_356 : i32
      scf.if %cond3A_357 {
        %dma_wait3A_358 = arith.constant 1 : i32
        %dma_wait3A_359 = arith.constant 1 : i32
        %dma_wait3A_360 = arith.constant 1 : i32
        %dma_wait3A_361 = arith.constant 0 : i32
        %dma_wait3A_362 = arith.constant 0 : i32
        %dma_wait3A_363 = tpu.memref_slice %arg6[%dma_wait3A_359, %dma_wait3A_361, %dma_wait3A_362] : memref<4x128x128xf32, #tpu.memory_space<vmem>> -> memref<1x128x128xf32, #tpu.memory_space<vmem>>
        %dma_wait3A_364 = tpu.memref_squeeze %dma_wait3A_363 : memref<1x128x128xf32, #tpu.memory_space<vmem>> -> memref<128x128xf32, #tpu.memory_space<vmem>>
        %dma_wait3A_365 = arith.constant 0 : i32
        %dma_wait3A_366 = tpu.memref_slice %arg5[%dma_wait3A_358, %dma_wait3A_365] : memref<4x128xi32, #tpu.memory_space<vmem>> -> memref<1x128xi32, #tpu.memory_space<vmem>>
        %dma_wait3A_367 = tpu.memref_squeeze %dma_wait3A_366 : memref<1x128xi32, #tpu.memory_space<vmem>> -> memref<128xi32, #tpu.memory_space<vmem>>
        %dma_wait3A_368 = arith.constant 0 : i32
        %dma_wait3A_369 = arith.constant 0 : i32
        %dma_wait3A_370 = tpu.memref_slice %arg2[%dma_wait3A_368, %dma_wait3A_369] : memref<1000000x128xf32, #tpu.memory_space<hbm>> -> memref<1000000x128xf32, #tpu.memory_space<hbm>>
        %dma_wait3A_371 = tpu.memref_slice %arg8[%dma_wait3A_360] : memref<4x!tpu.dma_semaphore, #tpu.memory_space<semaphore_mem>> -> memref<1x!tpu.dma_semaphore, #tpu.memory_space<semaphore_mem>>
        %dma_wait3A_372 = tpu.memref_squeeze %dma_wait3A_371 : memref<1x!tpu.dma_semaphore, #tpu.memory_space<semaphore_mem>> -> memref<!tpu.dma_semaphore, #tpu.memory_space<semaphore_mem>>
        tpu.wait_indirect_dma semaphore(%dma_wait3A_372 : memref<!tpu.dma_semaphore, #tpu.memory_space<semaphore_mem>>) src(%dma_wait3A_370 : memref<1000000x128xf32, #tpu.memory_space<hbm>>) dst(%dma_wait3A_364 : memref<128x128xf32, #tpu.memory_space<vmem>>)
        %sub3A = arith.constant 2 : i32
        %sub3A_373 = arith.subi %add3A_309, %sub3A : i32
        %mul3A_374 = arith.constant 128 : i32
        %mul3A_375 = arith.muli %sub3A_373, %mul3A_374 : i32
        %add3A_376 = arith.addi %mul3A_2, %mul3A_375 : i32
        %dma_start3A_377 = arith.constant 1 : i32
        %dma_start3A_378 = arith.constant 1 : i32
        %dma_start3A_379 = arith.constant 0 : i32
        %dma_start3A_380 = arith.constant 0 : i32
        %dma_start3A_381 = tpu.memref_slice %arg6[%dma_start3A_377, %dma_start3A_379, %dma_start3A_380] : memref<4x128x128xf32, #tpu.memory_space<vmem>> -> memref<1x128x128xf32, #tpu.memory_space<vmem>>
        %dma_start3A_382 = tpu.memref_squeeze %dma_start3A_381 : memref<1x128x128xf32, #tpu.memory_space<vmem>> -> memref<128x128xf32, #tpu.memory_space<vmem>>
        %dma_start3A_383 = arith.constant 0 : i32
        %dma_start3A_384 = tpu.memref_slice %arg4[%add3A_376, %dma_start3A_383] : memref<917504x128xf32, #tpu.memory_space<hbm>> -> memref<128x128xf32, #tpu.memory_space<hbm>>
        %dma_start3A_385 = tpu.memref_slice %arg9[%dma_start3A_378] : memref<4x!tpu.dma_semaphore, #tpu.memory_space<semaphore_mem>> -> memref<1x!tpu.dma_semaphore, #tpu.memory_space<semaphore_mem>>
        %dma_start3A_386 = tpu.memref_squeeze %dma_start3A_385 : memref<1x!tpu.dma_semaphore, #tpu.memory_space<semaphore_mem>> -> memref<!tpu.dma_semaphore, #tpu.memory_space<semaphore_mem>>
        %dma_start3A_387 = arith.constant 0 : i32
        %dma_start3A_388 = tpu.memref_slice %arg4[%add3A_376, %dma_start3A_387] : memref<917504x128xf32, #tpu.memory_space<hbm>> -> memref<128x128xf32, #tpu.memory_space<hbm>>
        %dma_start3A_389 = arith.constant 0 : i32
        %dma_start3A_390 = arith.constant 0 : i32
        %dma_start3A_391 = tpu.memref_slice %arg6[%dma_start3A_377, %dma_start3A_389, %dma_start3A_390] : memref<4x128x128xf32, #tpu.memory_space<vmem>> -> memref<1x128x128xf32, #tpu.memory_space<vmem>>
        %dma_start3A_392 = tpu.memref_squeeze %dma_start3A_391 : memref<1x128x128xf32, #tpu.memory_space<vmem>> -> memref<128x128xf32, #tpu.memory_space<vmem>>
        tpu.enqueue_dma source(%dma_start3A_392 : memref<128x128xf32, #tpu.memory_space<vmem>>) target(%dma_start3A_388 : memref<128x128xf32, #tpu.memory_space<hbm>>) target_semaphore(%dma_start3A_386 : memref<!tpu.dma_semaphore, #tpu.memory_space<semaphore_mem>>)
      } else {
      }
    }
    %scan3A_19 = arith.constant 56 : i32
    %dma_wait3A = arith.constant 2 : i32
    %dma_wait3A_20 = arith.constant 2 : i32
    %dma_wait3A_21 = arith.constant 2 : i32
    %dma_wait3A_22 = arith.constant 0 : i32
    %dma_wait3A_23 = arith.constant 0 : i32
    %dma_wait3A_24 = tpu.memref_slice %arg6[%dma_wait3A_20, %dma_wait3A_22, %dma_wait3A_23] : memref<4x128x128xf32, #tpu.memory_space<vmem>> -> memref<1x128x128xf32, #tpu.memory_space<vmem>>
    %dma_wait3A_25 = tpu.memref_squeeze %dma_wait3A_24 : memref<1x128x128xf32, #tpu.memory_space<vmem>> -> memref<128x128xf32, #tpu.memory_space<vmem>>
    %dma_wait3A_26 = arith.constant 0 : i32
    %dma_wait3A_27 = tpu.memref_slice %arg5[%dma_wait3A, %dma_wait3A_26] : memref<4x128xi32, #tpu.memory_space<vmem>> -> memref<1x128xi32, #tpu.memory_space<vmem>>
    %dma_wait3A_28 = tpu.memref_squeeze %dma_wait3A_27 : memref<1x128xi32, #tpu.memory_space<vmem>> -> memref<128xi32, #tpu.memory_space<vmem>>
    %dma_wait3A_29 = arith.constant 0 : i32
    %dma_wait3A_30 = arith.constant 0 : i32
    %dma_wait3A_31 = tpu.memref_slice %arg2[%dma_wait3A_29, %dma_wait3A_30] : memref<1000000x128xf32, #tpu.memory_space<hbm>> -> memref<1000000x128xf32, #tpu.memory_space<hbm>>
    %dma_wait3A_32 = tpu.memref_slice %arg8[%dma_wait3A_21] : memref<4x!tpu.dma_semaphore, #tpu.memory_space<semaphore_mem>> -> memref<1x!tpu.dma_semaphore, #tpu.memory_space<semaphore_mem>>
    %dma_wait3A_33 = tpu.memref_squeeze %dma_wait3A_32 : memref<1x!tpu.dma_semaphore, #tpu.memory_space<semaphore_mem>> -> memref<!tpu.dma_semaphore, #tpu.memory_space<semaphore_mem>>
    tpu.wait_indirect_dma semaphore(%dma_wait3A_33 : memref<!tpu.dma_semaphore, #tpu.memory_space<semaphore_mem>>) src(%dma_wait3A_31 : memref<1000000x128xf32, #tpu.memory_space<hbm>>) dst(%dma_wait3A_25 : memref<128x128xf32, #tpu.memory_space<vmem>>)
    %add3A_34 = arith.constant 28416 : i32
    %add3A_35 = arith.addi %mul3A_2, %add3A_34 : i32
    %dma_start3A_36 = arith.constant 2 : i32
    %dma_start3A_37 = arith.constant 2 : i32
    %dma_start3A_38 = arith.constant 0 : i32
    %dma_start3A_39 = arith.constant 0 : i32
    %dma_start3A_40 = tpu.memref_slice %arg6[%dma_start3A_36, %dma_start3A_38, %dma_start3A_39] : memref<4x128x128xf32, #tpu.memory_space<vmem>> -> memref<1x128x128xf32, #tpu.memory_space<vmem>>
    %dma_start3A_41 = tpu.memref_squeeze %dma_start3A_40 : memref<1x128x128xf32, #tpu.memory_space<vmem>> -> memref<128x128xf32, #tpu.memory_space<vmem>>
    %dma_start3A_42 = arith.constant 0 : i32
    %dma_start3A_43 = tpu.memref_slice %arg4[%add3A_35, %dma_start3A_42] : memref<917504x128xf32, #tpu.memory_space<hbm>> -> memref<128x128xf32, #tpu.memory_space<hbm>>
    %dma_start3A_44 = tpu.memref_slice %arg9[%dma_start3A_37] : memref<4x!tpu.dma_semaphore, #tpu.memory_space<semaphore_mem>> -> memref<1x!tpu.dma_semaphore, #tpu.memory_space<semaphore_mem>>
    %dma_start3A_45 = tpu.memref_squeeze %dma_start3A_44 : memref<1x!tpu.dma_semaphore, #tpu.memory_space<semaphore_mem>> -> memref<!tpu.dma_semaphore, #tpu.memory_space<semaphore_mem>>
    %dma_start3A_46 = arith.constant 0 : i32
    %dma_start3A_47 = tpu.memref_slice %arg4[%add3A_35, %dma_start3A_46] : memref<917504x128xf32, #tpu.memory_space<hbm>> -> memref<128x128xf32, #tpu.memory_space<hbm>>
    %dma_start3A_48 = arith.constant 0 : i32
    %dma_start3A_49 = arith.constant 0 : i32
    %dma_start3A_50 = tpu.memref_slice %arg6[%dma_start3A_36, %dma_start3A_48, %dma_start3A_49] : memref<4x128x128xf32, #tpu.memory_space<vmem>> -> memref<1x128x128xf32, #tpu.memory_space<vmem>>
    %dma_start3A_51 = tpu.memref_squeeze %dma_start3A_50 : memref<1x128x128xf32, #tpu.memory_space<vmem>> -> memref<128x128xf32, #tpu.memory_space<vmem>>
    tpu.enqueue_dma source(%dma_start3A_51 : memref<128x128xf32, #tpu.memory_space<vmem>>) target(%dma_start3A_47 : memref<128x128xf32, #tpu.memory_space<hbm>>) target_semaphore(%dma_start3A_45 : memref<!tpu.dma_semaphore, #tpu.memory_space<semaphore_mem>>)
    %dma_wait3A_52 = arith.constant 3 : i32
    %dma_wait3A_53 = arith.constant 3 : i32
    %dma_wait3A_54 = arith.constant 3 : i32
    %dma_wait3A_55 = arith.constant 0 : i32
    %dma_wait3A_56 = arith.constant 0 : i32
    %dma_wait3A_57 = tpu.memref_slice %arg6[%dma_wait3A_53, %dma_wait3A_55, %dma_wait3A_56] : memref<4x128x128xf32, #tpu.memory_space<vmem>> -> memref<1x128x128xf32, #tpu.memory_space<vmem>>
    %dma_wait3A_58 = tpu.memref_squeeze %dma_wait3A_57 : memref<1x128x128xf32, #tpu.memory_space<vmem>> -> memref<128x128xf32, #tpu.memory_space<vmem>>
    %dma_wait3A_59 = arith.constant 0 : i32
    %dma_wait3A_60 = tpu.memref_slice %arg5[%dma_wait3A_52, %dma_wait3A_59] : memref<4x128xi32, #tpu.memory_space<vmem>> -> memref<1x128xi32, #tpu.memory_space<vmem>>
    %dma_wait3A_61 = tpu.memref_squeeze %dma_wait3A_60 : memref<1x128xi32, #tpu.memory_space<vmem>> -> memref<128xi32, #tpu.memory_space<vmem>>
    %dma_wait3A_62 = arith.constant 0 : i32
    %dma_wait3A_63 = arith.constant 0 : i32
    %dma_wait3A_64 = tpu.memref_slice %arg2[%dma_wait3A_62, %dma_wait3A_63] : memref<1000000x128xf32, #tpu.memory_space<hbm>> -> memref<1000000x128xf32, #tpu.memory_space<hbm>>
    %dma_wait3A_65 = tpu.memref_slice %arg8[%dma_wait3A_54] : memref<4x!tpu.dma_semaphore, #tpu.memory_space<semaphore_mem>> -> memref<1x!tpu.dma_semaphore, #tpu.memory_space<semaphore_mem>>
    %dma_wait3A_66 = tpu.memref_squeeze %dma_wait3A_65 : memref<1x!tpu.dma_semaphore, #tpu.memory_space<semaphore_mem>> -> memref<!tpu.dma_semaphore, #tpu.memory_space<semaphore_mem>>
    tpu.wait_indirect_dma semaphore(%dma_wait3A_66 : memref<!tpu.dma_semaphore, #tpu.memory_space<semaphore_mem>>) src(%dma_wait3A_64 : memref<1000000x128xf32, #tpu.memory_space<hbm>>) dst(%dma_wait3A_58 : memref<128x128xf32, #tpu.memory_space<vmem>>)
    %add3A_67 = arith.constant 28544 : i32
    %add3A_68 = arith.addi %mul3A_2, %add3A_67 : i32
    %dma_start3A_69 = arith.constant 3 : i32
    %dma_start3A_70 = arith.constant 3 : i32
    %dma_start3A_71 = arith.constant 0 : i32
    %dma_start3A_72 = arith.constant 0 : i32
    %dma_start3A_73 = tpu.memref_slice %arg6[%dma_start3A_69, %dma_start3A_71, %dma_start3A_72] : memref<4x128x128xf32, #tpu.memory_space<vmem>> -> memref<1x128x128xf32, #tpu.memory_space<vmem>>
    %dma_start3A_74 = tpu.memref_squeeze %dma_start3A_73 : memref<1x128x128xf32, #tpu.memory_space<vmem>> -> memref<128x128xf32, #tpu.memory_space<vmem>>
    %dma_start3A_75 = arith.constant 0 : i32
    %dma_start3A_76 = tpu.memref_slice %arg4[%add3A_68, %dma_start3A_75] : memref<917504x128xf32, #tpu.memory_space<hbm>> -> memref<128x128xf32, #tpu.memory_space<hbm>>
    %dma_start3A_77 = tpu.memref_slice %arg9[%dma_start3A_70] : memref<4x!tpu.dma_semaphore, #tpu.memory_space<semaphore_mem>> -> memref<1x!tpu.dma_semaphore, #tpu.memory_space<semaphore_mem>>
    %dma_start3A_78 = tpu.memref_squeeze %dma_start3A_77 : memref<1x!tpu.dma_semaphore, #tpu.memory_space<semaphore_mem>> -> memref<!tpu.dma_semaphore, #tpu.memory_space<semaphore_mem>>
    %dma_start3A_79 = arith.constant 0 : i32
    %dma_start3A_80 = tpu.memref_slice %arg4[%add3A_68, %dma_start3A_79] : memref<917504x128xf32, #tpu.memory_space<hbm>> -> memref<128x128xf32, #tpu.memory_space<hbm>>
    %dma_start3A_81 = arith.constant 0 : i32
    %dma_start3A_82 = arith.constant 0 : i32
    %dma_start3A_83 = tpu.memref_slice %arg6[%dma_start3A_69, %dma_start3A_81, %dma_start3A_82] : memref<4x128x128xf32, #tpu.memory_space<vmem>> -> memref<1x128x128xf32, #tpu.memory_space<vmem>>
    %dma_start3A_84 = tpu.memref_squeeze %dma_start3A_83 : memref<1x128x128xf32, #tpu.memory_space<vmem>> -> memref<128x128xf32, #tpu.memory_space<vmem>>
    tpu.enqueue_dma source(%dma_start3A_84 : memref<128x128xf32, #tpu.memory_space<vmem>>) target(%dma_start3A_80 : memref<128x128xf32, #tpu.memory_space<hbm>>) target_semaphore(%dma_start3A_78 : memref<!tpu.dma_semaphore, #tpu.memory_space<semaphore_mem>>)
    %add3A_85 = arith.constant 28160 : i32
    %add3A_86 = arith.addi %mul3A_2, %add3A_85 : i32
    %dma_wait3A_87 = arith.constant 0 : i32
    %dma_wait3A_88 = arith.constant 0 : i32
    %dma_wait3A_89 = arith.constant 0 : i32
    %dma_wait3A_90 = arith.constant 0 : i32
    %dma_wait3A_91 = tpu.memref_slice %arg6[%dma_wait3A_87, %dma_wait3A_89, %dma_wait3A_90] : memref<4x128x128xf32, #tpu.memory_space<vmem>> -> memref<1x128x128xf32, #tpu.memory_space<vmem>>
    %dma_wait3A_92 = tpu.memref_squeeze %dma_wait3A_91 : memref<1x128x128xf32, #tpu.memory_space<vmem>> -> memref<128x128xf32, #tpu.memory_space<vmem>>
    %dma_wait3A_93 = arith.constant 0 : i32
    %dma_wait3A_94 = tpu.memref_slice %arg4[%add3A_86, %dma_wait3A_93] : memref<917504x128xf32, #tpu.memory_space<hbm>> -> memref<128x128xf32, #tpu.memory_space<hbm>>
    %dma_wait3A_95 = tpu.memref_slice %arg9[%dma_wait3A_88] : memref<4x!tpu.dma_semaphore, #tpu.memory_space<semaphore_mem>> -> memref<1x!tpu.dma_semaphore, #tpu.memory_space<semaphore_mem>>
    %dma_wait3A_96 = tpu.memref_squeeze %dma_wait3A_95 : memref<1x!tpu.dma_semaphore, #tpu.memory_space<semaphore_mem>> -> memref<!tpu.dma_semaphore, #tpu.memory_space<semaphore_mem>>
    %dma_wait3A_97 = arith.constant 0 : i32
    %dma_wait3A_98 = tpu.memref_slice %arg4[%add3A_86, %dma_wait3A_97] : memref<917504x128xf32, #tpu.memory_space<hbm>> -> memref<128x128xf32, #tpu.memory_space<hbm>>
    %dma_wait3A_99 = arith.constant 0 : i32
    %dma_wait3A_100 = arith.constant 0 : i32
    %dma_wait3A_101 = tpu.memref_slice %arg6[%dma_wait3A_87, %dma_wait3A_99, %dma_wait3A_100] : memref<4x128x128xf32, #tpu.memory_space<vmem>> -> memref<1x128x128xf32, #tpu.memory_space<vmem>>
    %dma_wait3A_102 = tpu.memref_squeeze %dma_wait3A_101 : memref<1x128x128xf32, #tpu.memory_space<vmem>> -> memref<128x128xf32, #tpu.memory_space<vmem>>
    tpu.wait_dma2 semaphore(%dma_wait3A_96 : memref<!tpu.dma_semaphore, #tpu.memory_space<semaphore_mem>>) src(%dma_wait3A_102 : memref<128x128xf32, #tpu.memory_space<vmem>>) dst(%dma_wait3A_98 : memref<128x128xf32, #tpu.memory_space<hbm>>)
    %add3A_103 = arith.constant 28288 : i32
    %add3A_104 = arith.addi %mul3A_2, %add3A_103 : i32
    %dma_wait3A_105 = arith.constant 1 : i32
    %dma_wait3A_106 = arith.constant 1 : i32
    %dma_wait3A_107 = arith.constant 0 : i32
    %dma_wait3A_108 = arith.constant 0 : i32
    %dma_wait3A_109 = tpu.memref_slice %arg6[%dma_wait3A_105, %dma_wait3A_107, %dma_wait3A_108] : memref<4x128x128xf32, #tpu.memory_space<vmem>> -> memref<1x128x128xf32, #tpu.memory_space<vmem>>
    %dma_wait3A_110 = tpu.memref_squeeze %dma_wait3A_109 : memref<1x128x128xf32, #tpu.memory_space<vmem>> -> memref<128x128xf32, #tpu.memory_space<vmem>>
    %dma_wait3A_111 = arith.constant 0 : i32
    %dma_wait3A_112 = tpu.memref_slice %arg4[%add3A_104, %dma_wait3A_111] : memref<917504x128xf32, #tpu.memory_space<hbm>> -> memref<128x128xf32, #tpu.memory_space<hbm>>
    %dma_wait3A_113 = tpu.memref_slice %arg9[%dma_wait3A_106] : memref<4x!tpu.dma_semaphore, #tpu.memory_space<semaphore_mem>> -> memref<1x!tpu.dma_semaphore, #tpu.memory_space<semaphore_mem>>
    %dma_wait3A_114 = tpu.memref_squeeze %dma_wait3A_113 : memref<1x!tpu.dma_semaphore, #tpu.memory_space<semaphore_mem>> -> memref<!tpu.dma_semaphore, #tpu.memory_space<semaphore_mem>>
    %dma_wait3A_115 = arith.constant 0 : i32
    %dma_wait3A_116 = tpu.memref_slice %arg4[%add3A_104, %dma_wait3A_115] : memref<917504x128xf32, #tpu.memory_space<hbm>> -> memref<128x128xf32, #tpu.memory_space<hbm>>
    %dma_wait3A_117 = arith.constant 0 : i32
    %dma_wait3A_118 = arith.constant 0 : i32
    %dma_wait3A_119 = tpu.memref_slice %arg6[%dma_wait3A_105, %dma_wait3A_117, %dma_wait3A_118] : memref<4x128x128xf32, #tpu.memory_space<vmem>> -> memref<1x128x128xf32, #tpu.memory_space<vmem>>
    %dma_wait3A_120 = tpu.memref_squeeze %dma_wait3A_119 : memref<1x128x128xf32, #tpu.memory_space<vmem>> -> memref<128x128xf32, #tpu.memory_space<vmem>>
    tpu.wait_dma2 semaphore(%dma_wait3A_114 : memref<!tpu.dma_semaphore, #tpu.memory_space<semaphore_mem>>) src(%dma_wait3A_120 : memref<128x128xf32, #tpu.memory_space<vmem>>) dst(%dma_wait3A_116 : memref<128x128xf32, #tpu.memory_space<hbm>>)
    %add3A_121 = arith.constant 28416 : i32
    %add3A_122 = arith.addi %mul3A_2, %add3A_121 : i32
    %dma_wait3A_123 = arith.constant 2 : i32
    %dma_wait3A_124 = arith.constant 2 : i32
    %dma_wait3A_125 = arith.constant 0 : i32
    %dma_wait3A_126 = arith.constant 0 : i32
    %dma_wait3A_127 = tpu.memref_slice %arg6[%dma_wait3A_123, %dma_wait3A_125, %dma_wait3A_126] : memref<4x128x128xf32, #tpu.memory_space<vmem>> -> memref<1x128x128xf32, #tpu.memory_space<vmem>>
    %dma_wait3A_128 = tpu.memref_squeeze %dma_wait3A_127 : memref<1x128x128xf32, #tpu.memory_space<vmem>> -> memref<128x128xf32, #tpu.memory_space<vmem>>
    %dma_wait3A_129 = arith.constant 0 : i32
    %dma_wait3A_130 = tpu.memref_slice %arg4[%add3A_122, %dma_wait3A_129] : memref<917504x128xf32, #tpu.memory_space<hbm>> -> memref<128x128xf32, #tpu.memory_space<hbm>>
    %dma_wait3A_131 = tpu.memref_slice %arg9[%dma_wait3A_124] : memref<4x!tpu.dma_semaphore, #tpu.memory_space<semaphore_mem>> -> memref<1x!tpu.dma_semaphore, #tpu.memory_space<semaphore_mem>>
    %dma_wait3A_132 = tpu.memref_squeeze %dma_wait3A_131 : memref<1x!tpu.dma_semaphore, #tpu.memory_space<semaphore_mem>> -> memref<!tpu.dma_semaphore, #tpu.memory_space<semaphore_mem>>
    %dma_wait3A_133 = arith.constant 0 : i32
    %dma_wait3A_134 = tpu.memref_slice %arg4[%add3A_122, %dma_wait3A_133] : memref<917504x128xf32, #tpu.memory_space<hbm>> -> memref<128x128xf32, #tpu.memory_space<hbm>>
    %dma_wait3A_135 = arith.constant 0 : i32
    %dma_wait3A_136 = arith.constant 0 : i32
    %dma_wait3A_137 = tpu.memref_slice %arg6[%dma_wait3A_123, %dma_wait3A_135, %dma_wait3A_136] : memref<4x128x128xf32, #tpu.memory_space<vmem>> -> memref<1x128x128xf32, #tpu.memory_space<vmem>>
    %dma_wait3A_138 = tpu.memref_squeeze %dma_wait3A_137 : memref<1x128x128xf32, #tpu.memory_space<vmem>> -> memref<128x128xf32, #tpu.memory_space<vmem>>
    tpu.wait_dma2 semaphore(%dma_wait3A_132 : memref<!tpu.dma_semaphore, #tpu.memory_space<semaphore_mem>>) src(%dma_wait3A_138 : memref<128x128xf32, #tpu.memory_space<vmem>>) dst(%dma_wait3A_134 : memref<128x128xf32, #tpu.memory_space<hbm>>)
    %add3A_139 = arith.constant 28544 : i32
    %add3A_140 = arith.addi %mul3A_2, %add3A_139 : i32
    %dma_wait3A_141 = arith.constant 3 : i32
    %dma_wait3A_142 = arith.constant 3 : i32
    %dma_wait3A_143 = arith.constant 0 : i32
    %dma_wait3A_144 = arith.constant 0 : i32
    %dma_wait3A_145 = tpu.memref_slice %arg6[%dma_wait3A_141, %dma_wait3A_143, %dma_wait3A_144] : memref<4x128x128xf32, #tpu.memory_space<vmem>> -> memref<1x128x128xf32, #tpu.memory_space<vmem>>
    %dma_wait3A_146 = tpu.memref_squeeze %dma_wait3A_145 : memref<1x128x128xf32, #tpu.memory_space<vmem>> -> memref<128x128xf32, #tpu.memory_space<vmem>>
    %dma_wait3A_147 = arith.constant 0 : i32
    %dma_wait3A_148 = tpu.memref_slice %arg4[%add3A_140, %dma_wait3A_147] : memref<917504x128xf32, #tpu.memory_space<hbm>> -> memref<128x128xf32, #tpu.memory_space<hbm>>
    %dma_wait3A_149 = tpu.memref_slice %arg9[%dma_wait3A_142] : memref<4x!tpu.dma_semaphore, #tpu.memory_space<semaphore_mem>> -> memref<1x!tpu.dma_semaphore, #tpu.memory_space<semaphore_mem>>
    %dma_wait3A_150 = tpu.memref_squeeze %dma_wait3A_149 : memref<1x!tpu.dma_semaphore, #tpu.memory_space<semaphore_mem>> -> memref<!tpu.dma_semaphore, #tpu.memory_space<semaphore_mem>>
    %dma_wait3A_151 = arith.constant 0 : i32
    %dma_wait3A_152 = tpu.memref_slice %arg4[%add3A_140, %dma_wait3A_151] : memref<917504x128xf32, #tpu.memory_space<hbm>> -> memref<128x128xf32, #tpu.memory_space<hbm>>
    %dma_wait3A_153 = arith.constant 0 : i32
    %dma_wait3A_154 = arith.constant 0 : i32
    %dma_wait3A_155 = tpu.memref_slice %arg6[%dma_wait3A_141, %dma_wait3A_153, %dma_wait3A_154] : memref<4x128x128xf32, #tpu.memory_space<vmem>> -> memref<1x128x128xf32, #tpu.memory_space<vmem>>
    %dma_wait3A_156 = tpu.memref_squeeze %dma_wait3A_155 : memref<1x128x128xf32, #tpu.memory_space<vmem>> -> memref<128x128xf32, #tpu.memory_space<vmem>>
    tpu.wait_dma2 semaphore(%dma_wait3A_150 : memref<!tpu.dma_semaphore, #tpu.memory_space<semaphore_mem>>) src(%dma_wait3A_156 : memref<128x128xf32, #tpu.memory_space<vmem>>) dst(%dma_wait3A_152 : memref<128x128xf32, #tpu.memory_space<hbm>>)
    return
  }
}

</mosaic_0001>

<sc_bundles>
// kernel: kernel.3.cloned.1.call-start
scs
__scs_entry_jumppad:
0x0: {  	(pc) =	sbr.rel $0x88, $3  }
0x1: {  	(tag) =	ssettag $0x0;
	lr =	simm.s32 $0x1  }
0x2: {  	[smem:$0x3F9F] =	sst lr;
	_ =	strace $0xD0000000  }
0x3: {  	_ = 	snop  }
0x4: {  	_ = 	snop  }
0x5: {  	_ = 	snop  }
0x6: {  	_ = 	snop  }
0x7: {  	_ = 	snop  }
__scs_overlays_trampoline_lowered:
0x8: {  	[smem:$0x3FAE] =	sst s0  }
0x9: {  	[smem:$0x3FAF] =	sst s1  }
0xa: {  	[smem:$0x3FB0] =	sst s2  }
0xb: {  	[smem:$0x3FB1] =	sst s3  }
0xc: {  	[smem:$0x3FB2] =	sst s4  }
0xd: {  	[smem:$0x3FB3] =	sst s5  }
0xe: {  	[smem:$0x3FB4] =	sst s6  }
0xf: {  	[smem:$0x3FB5] =	sst s7  }
0x10: {  	[smem:$0x3FB6] =	sst s8  }
0x11: {  	[smem:$0x3FB7] =	sst s9;
	s0 =	simm.s32 @!p0 $0x0  }
0x12: {  	s1 =	sld [smem:$0x3F9D];
	s0 =	simm.s32 @p0 $0x1  }
0x13: {  	[smem:$0x3FB8] =	sst s0;
	s0 =	simm.s32 @!p1 $0x0  }
0x14: {  	s2 =	sld [smem:$0x3F9C];
	s0 =	simm.s32 @p1 $0x1  }
0x15: {  	[smem:$0x3FB9] =	sst s0;
	s0 =	simm.s32 @!p2 $0x0  }
0x16: {  	s3 =	sld [smem:$0x3FDB];
	s0 =	simm.s32 @p2 $0x1  }
0x17: {  	s4 =	simm.s32 $0x1BF5;
	[smem:$0x3FBB] =	sst s0  }
0x18: {  	s0 =	sld [smem:$0x3F9E];
	_ =	swait.ge [sflag:s4], $0x0  }
0x19: {  	s7 =	sld [smem:$0x3F9F]  }
0x1a: {  	s8 =	sadd.s32 $0xFFFFE003, lr  }
0x1b: {  	s9 =	sadd.s32 $0xFFFFFEF7, lr;
	s5 =	simm.s32 $0xFFFFFFFF;
	p2 =	slt.u32 s8, $0xFFFFF086  }
0x1c: {  	p1 =	slt.u32 s9, $0xF7A;
	s5 =	simm.s32 @!p2 $0x0  }
0x1d: {  	s5 =	simm.s32 @p1 $0x1;
	p0 =	seq.s32 s7, s2  }
0x1e: {  	s7 =	smul.u32 @!p0 $0xF7A, s2;
	p2 =	seq.s32 @!p0 s5, $0x0  }
0x1f: {  	s9 =	smul.u32 $0xF7A, s1;
	s8 =	simm.s32 @!p0 $0x1BF5;
	p2 =	por !p2, p0  }
0x20: {  	[sflag:s8] =	ssyncset.s32 @!p0 $0xFFFFF086;
	s6 =	sadd.s32 @!p0 s3, s7;
	s7 =	simm.s32 @!p0 $0x108  }
0x21: {  	s3 =	sadd.s32 s3, s9;
	s6 =	sadd.s32 @!p0 $0x88, s6;
	s7 =	simm.s32 @p2 $0x1082  }
0x22: {  	[simem:s7], [sflag:s8] =	dma.local @!p0 [hbm:s6], $0xF7A  }
0x23: {  	s9 =	sor.u32 $0xD0000000, s2;
	s6 =	simm.s32 $0x108;
	_ =	swait.ge @!p0 [sflag:s8], $0x0  }
0x24: {  	s3 =	sadd.s32 $0x88, s3;
	s6 =	simm.s32 @!p1 $0x1082;
	[sflag:s4] =	ssyncset.s32 $0xFFFFF086  }
0x25: {  	[simem:s6], [sflag:s4] =	dma.local [hbm:s3], $0xF7A  }
0x26: {  	[smem:$0x3F9F] =	sst s1;
	(tag) =	ssettag s2;
	_ =	strace s9  }
0x27: {  	s1 =	sld [smem:$0x3FAF]  }
0x28: {  	s2 =	sld [smem:$0x3FB0]  }
0x29: {  	s4 =	sld [smem:$0x3FB2]  }
0x2a: {  	p0 =	seq.s32 s5, $0x0;
	s5 =	sld [smem:$0x3FB3]  }
0x2b: {  	s6 =	sld [smem:$0x3FB4]  }
0x2c: {  	s7 =	sld [smem:$0x3FB5]  }
0x2d: {  	s3 =	simm.s32 $0x108;
	s8 =	sld [smem:$0x3FB6]  }
0x2e: {  	s3 =	simm.s32 @!p0 $0x1082;
	s9 =	sld [smem:$0x3FB7]  }
0x2f: {  	lr =	sadd.s32 s0, s3;
	s0 =	sld [smem:$0x3FAE]  }
0x30: {  	s3 =	sld [smem:$0x3FB1]  }
0x31: {  	[smem:$0x3FBA] =	sst s10  }
0x32: {  	s10 =	sld [smem:$0x3FB8];
	_ =	sdelay $0x3  }
0x33: {  	p0 =	seq.s32 s10, $0x1;
	s10 =	sld [smem:$0x3FBA];
	_ =	sdelay $0x3  }
0x34: {  	[smem:$0x3FBA] =	sst s10  }
0x35: {  	s10 =	sld [smem:$0x3FB9];
	_ =	sdelay $0x3  }
0x36: {  	p1 =	seq.s32 s10, $0x1;
	s10 =	sld [smem:$0x3FBA];
	_ =	sdelay $0x3  }
0x37: {  	[smem:$0x3FBA] =	sst s10  }
0x38: {  	s10 =	sld [smem:$0x3FBB]  }
0x39: {  	_ = 	snop;
	(pc) =	sbr.ind lr, $3  }
0x3a: {  	_ = 	snop  }
0x3b: {  	_ = 	snop  }
0x3c: {  	p2 =	seq.s32 s10, $0x1;
	s10 =	sld [smem:$0x3FBA]  }
0x3d: {  	_ =	shalt  }
0x3e: {  	_ =	shalt  }
0x3f: {  	_ =	shalt  }
0x40: {  	_ =	shalt  }
0x41: {  	_ =	shalt  }
0x42: {  	_ =	shalt  }
0x43: {  	_ =	shalt  }
0x44: {  	_ =	shalt  }
0x45: {  	_ =	shalt  }
0x46: {  	_ =	shalt  }
0x47: {  	_ =	shalt  }
0x48: {  	_ =	shalt  }
0x49: {  	_ =	shalt  }
0x4a: {  	_ =	shalt  }
0x4b: {  	_ =	shalt  }
0x4c: {  	_ =	shalt  }
0x4d: {  	_ =	shalt  }
0x4e: {  	_ =	shalt  }
0x4f: {  	_ =	shalt  }
0x50: {  	_ =	shalt  }
0x51: {  	_ =	shalt  }
0x52: {  	_ =	shalt  }
0x53: {  	_ =	shalt  }
0x54: {  	_ =	shalt  }
0x55: {  	_ =	shalt  }
0x56: {  	_ =	shalt  }
0x57: {  	_ =	shalt  }
0x58: {  	_ =	shalt  }
0x59: {  	_ =	shalt  }
0x5a: {  	_ =	shalt  }
0x5b: {  	_ =	shalt  }
0x5c: {  	_ =	shalt  }
0x5d: {  	_ =	shalt  }
0x5e: {  	_ =	shalt  }
0x5f: {  	_ =	shalt  }
0x60: {  	_ =	shalt  }
0x61: {  	_ =	shalt  }
0x62: {  	_ =	shalt  }
0x63: {  	_ =	shalt  }
0x64: {  	_ =	shalt  }
0x65: {  	_ =	shalt  }
0x66: {  	_ =	shalt  }
0x67: {  	_ =	shalt  }
0x68: {  	_ =	shalt  }
0x69: {  	_ =	shalt  }
0x6a: {  	_ =	shalt  }
0x6b: {  	_ =	shalt  }
0x6c: {  	_ =	shalt  }
0x6d: {  	_ =	shalt  }
0x6e: {  	_ =	shalt  }
0x6f: {  	_ =	shalt  }
0x70: {  	_ =	shalt  }
0x71: {  	_ =	shalt  }
0x72: {  	_ =	shalt  }
0x73: {  	_ =	shalt  }
0x74: {  	_ =	shalt  }
0x75: {  	_ =	shalt  }
0x76: {  	_ =	shalt  }
0x77: {  	_ =	shalt  }
0x78: {  	_ =	shalt  }
0x79: {  	_ =	shalt  }
0x7a: {  	_ =	shalt  }
0x7b: {  	_ =	shalt  }
0x7c: {  	_ =	shalt  }
0x7d: {  	_ =	shalt  }
0x7e: {  	_ =	shalt  }
0x7f: {  	_ =	shalt  }
0x80: {  	_ =	shalt  }
0x81: {  	_ =	shalt  }
0x82: {  	_ =	shalt  }
0x83: {  	_ =	shalt  }
0x84: {  	_ =	shalt  }
0x85: {  	_ =	shalt  }
0x86: {  	_ =	shalt  }
0x87: {  	_ =	shalt  }
.Lfunc_end0:
.L_simem_size_0:
called_computation.1_lowered:
.L_overlay_start_0:
0x88: {  	s2 =	sld [smem:$0x3FD9]  }
0x89: {  	s3 =	sld [smem:$0x3FFE];
	_ =	sdelay $0x1  }
0x8a: {  	s1 =	srdreg.scid  }
0x8b: {  	s0 =	sand.u32 $0x1, s1  }
0x8c: {  	s17 =	sshll.u32 s0, $0xA;
	s2 =	sadd.s32 s3, s2  }
0x8d: {  	s2 =	sadd.s32 s2, s17  }
0x8e: {  	[smem:$0x3FC6] =	sst s2  }
0x8f: {  	_ = 	snop  }
0x90: {  	s2 =	sld [smem:$0x3FD0];
	(tm) =	ssettm $0x1  }
0x91: {  	s18 =	sld [smem:$0x3FFB];
	_ =	sdelay $0x3  }
0x92: {  	_ =	strace s18  }
0x93: {  	s3 =	sld [smem:$0x3FFC];
	_ =	sdelay $0x3  }
0x94: {  	_ =	strace s3  }
0x95: {  	s3 =	sld [smem:$0x3FFD];
	_ =	sdelay $0x3  }
0x96: {  	_ =	strace s3  }
0x97: {  	_ =	strace $0x8FFFFFFF  }
0x98: {  	s19 =	sld [smem:$0x3FDB];
	_ =	sdelay $0x1  }
0x99: {  	s4 =	simm.s32 $_scs_section_size  }
0x9a: {  	s5 =	simm.s32 $_size__tile_overlayer_lowered;
	s6 =	simm.s32 $_tile_overlayer_lowered  }
0x9b: {  	s22 =	simm.s32 $0x1BFF;
	s21 =	sshll.u32 s6, $0x1;
	s3 =	sadd.s32 s4, s19  }
0x9c: {  	s7 =	simm.s32 $0x0;
	s20 =	sshll.u32 s5, $0x1;
	s5 =	sadd.s32 s21, s3  }
0x9d: {  	[timem:s7], [sflag:s22] =	dma.local [hbm:s5], s20  }
0x9e: {  	_ =	swait.ge [sflag:s22], s20  }
0x9f: {  	s4 =	ssub.s32 $0x0, s20;
	[sflag:s22] =	ssyncset.done $0x0  }
0xa0: {  	[sflag:s22] =	ssyncadd.s32 s4;
	_ =	sdelay $0x1  }
0xa1: {  	s23 =	simm.s32 $0x1B8B  }
0xa2: {  	_ =	swait.ge [sflag:s23], $0x1  }
0xa3: {  	[sflag:s23] =	ssyncset.done $0x0  }
0xa4: {  	s25 =	simm.s32 $0x1B8E;
	s24 =	sld [smem:$0x3FFE];
	[sflag:s23] =	ssyncadd.s32 $0xFFFFFFFF  }
0xa5: {  	s26 =	simm.s32 $execute0_lowered;
	[smem:$0x3FD2] =	sst s25  }
0xa6: {  	s5 =	sshll.u32 s26, $0x1;
	_ =	strace $0x80000046;
	[dreg:$0x1] =	wrdreg $0xFFFFFFFF  }
0xa7: {  	s28 =	simm.s32 $_size_execute0_lowered;
	s3 =	sadd.s32 s3, s5;
	[dreg:$0x0] =	wrdreg $0x0  }
0xa8: {  	s5 =	sshll.u32 s28, $0x1;
	[dreg:$0x2] =	wrdreg s3  }
0xa9: {  	[dreg:$0x3] =	wrdreg s5  }
0xaa: {  	[dreg:$0x4] =	wrdreg $0xC0  }
0xab: {  	_ =	task [dreg:s7], $0x5FFFF  }
0xac: {  	[dreg:$0x1] =	wrdreg $0xFFFFFFFF  }
0xad: {  	[dreg:$0x0] =	wrdreg $0x60  }
0xae: {  	[dreg:$0x2] =	wrdreg s24  }
0xaf: {  	[dreg:$0x3] =	wrdreg s2  }
0xb0: {  	[dreg:$0x4] =	wrdreg $0x9  }
0xb1: {  	_ =	task.clear_ibuf [dreg:s7], $0x5FFFF;
	_ =	strace $0x90000046  }
0xb2: {  	s29 =	simm.s32 $0x9;
	_ =	strace $0x80000048  }
0xb3: {  	_ =	swait.ge [sflag:s29], $0x1  }
0xb4: {  	[sflag:s29] =	ssyncadd.s32 $0xFFFFFFFF  }
0xb5: {  	_ =	strace $0x90000048  }
0xb6: {  	_ =	sfence  }
0xb7: {  	s30 =	sld [smem:$0x0];
	_ =	sdelay $0x2  }
0xb8: {  	s31 =	sshll.u32 s1, $0xD;
	s1 =	sshrl.u32 s1, $0x2  }
0xb9: {  	s3 =	sand.u32 $0x4000, s31;
	s1 =	sadd.s32 s1, s30  }
0xba: {  	s0 =	sor.u32 s3, s0;
	s1 =	sshll.u32 s1, $0x11  }
0xbb: {  	s0 =	sor.u32 s1, s0  }
0xbc: {  	s0 =	sadd.s32 $0x8F2B, s0  }
0xbd: {  	[sflag:s0] =	ssyncadd.remote.s32 $0x1  }
0xbe: {  	_ =	sfence.sel $0xFFFF  }
0xbf: {  	[dreg:$0x0] =	wrdreg $0xFFFFFFFF;
	(pc) =	sbr.abs _section_cstart, $3  }
0xc0: {  	[dreg:$0x1] =	wrdreg $0xFFFFFFFF  }
0xc1: {  	_ =	task.clear_ibuf [dreg:s7], $0x2FFFF;
	_ =	strace $0x9FFFFFFF  }
0xc2: {  	(tm) =	ssettm $0x7FFFFFFF  }
0xc3: {  	_ =	shalt  }
tec
execute0_lowered:
.L_overlay_start_1:
0x0: {  	(tag) =	ssettag $0x1  }
0x1: {  	s0 =	rddreg [dreg:$0x0]  }
0x2: {  	s1 =	srdreg.scid;
	s11 =	stileid.u32  }
0x3: {  	s4 =	rddreg [dreg:$0x1];
	s2 =	simm.s32 $0x0;
	s8 =	smul.u32 $0xE0000, s11  }
0x4: {  	s13 =	simm.s32 $0x80;
	s14 =	simm.s32 $0x200;
	s19 =	smul.u32 $0x700000, s11  }
0x5: {  	s1 =	sand.u32 $0x1, s1;
	s3 =	sshll.u32 s11, $0x1;
	s11 =	smul.u32 $0xE000, s11  }
0x6: {  	s15 =	simm.s32 $0x4200;
	s16 =	simm.s32 $0x100;
	s10 =	smul.u32 $0x70000, s1  }
0x7: {  	s17 =	simm.s32 $0x8200;
	s18 =	simm.s32 $0x180;
	s21 =	smul.u32 $0x380000, s1  }
0x8: {  	s3 =	sor.u32 s1, s3;
	s7 =	ssub.s32 $0x2, s1;
	s1 =	smul.u32 $0x7000, s1  }
0x9: {  	s28 =	simm.s32 $0xB;
	s29 =	simm.s32 $0xC;
	s5 =	smul.u32 $0x7000, s3  }
0xa: {  	s30 =	simm.s32 $0x0;
	[smem:$0x7FF] =	sst s2;
	s6 =	smul.u32 $0x380000, s3  }
0xb: {  	s3 =	sadd.s32 $0xF42E00, s0;
	s0 =	sadd.s32 $0xA00, s0;
	s9 =	sshrl.u32 s7, $0x1  }
0xc: {  	_ =	strace $0x80000047;
	s7 =	ssub.s32 s7, s9;
	s8 =	sadd.s32 s8, s0  }
0xd: {  	s22 =	sadd.s32 s21, s19;
	s1 =	sadd.s32 s1, s11;
	s19 =	simm.s32 $0x5  }
0xe: {  	s21 =	simm.s32 $0xC200;
	s5 =	sshrl.u32 s5, $0x3;
	s20 =	sshrl.u32 s6, $0x3  }
0xf: {  	s8 =	sadd.s32 s10, s8;
	s6 =	sshrl.u32 s22, $0x3;
	s23 =	sor.u32 $0x80, s1  }
0x10: {  	s25 =	smax.u32 s7, $0x1;
	s26 =	sor.u32 $0x200, s1;
	s31 =	sor.u32 $0x180, s1  }
0x11: {  	s1 =	sor.u32 $0x100, s1;
	s5 =	sadd.s32 s4, s5;
	[dreg:$0x3] =	wrdreg s8  }
0x12: {  	s6 =	sadd.s32 s6, s0;
	s24 =	sshrl.u32 s23, $0x3;
	[dreg:$0x9] =	wrdreg s25  }
0x13: {  	s1 =	sshrl.u32 s1, $0x3;
	[dreg:$0x6] =	wrdreg s5;
	s5 =	sadd.s32 s0, s20  }
0x14: {  	[dreg:$0x4] =	wrdreg s6;
	s12 =	sadd.s32 $0x6F000, s5;
	s5 =	sadd.s32 $0x6F800, s5  }
0x15: {  	s6 =	sadd.s32 s24, s4;
	[dreg:$0x8] =	wrdreg s5;
	s5 =	sor.u32 $0x4000, s22  }
0x16: {  	s11 =	sadd.s32 s1, s4;
	s20 =	simm.s32 $0x4;
	s5 =	sshrl.u32 s5, $0x3  }
0x17: {  	[dreg:$0x7] =	wrdreg s12;
	s12 =	simm.s32 $0x1;
	s0 =	sadd.s32 s5, s0  }
0x18: {  	s5 =	sshrl.u32 s31, $0x3;
	[dreg:$0x5] =	wrdreg s0;
	s0 =	sshrl.u32 s26, $0x3  }
0x19: {  	s22 =	simm.s32 $0x6;
	s10 =	sadd.s32 s5, s4;
	s9 =	sadd.s32 s0, s4  }
.LBB2_1:
0x1a: {  	s0 =	rddreg [dreg:$0x6]  }
0x1b: {  	[tilespmem:s2], [sflag:$0x1] =	stream.linear.gather [hbm4b:s0+s2], $0x80, $0x38;
	[tilespmem:$0x10200] =	vst v63  }
0x1c: {  	_ =	swait.ge [sflag:s12], $0x80  }
0x1d: {  	p0 =	por $0x1, $0x1;
	[sflag:s12] =	ssyncset.done $0x0  }
0x1e: {  	s0 =	simm.s32 @!p0 $0x9;
	[sflag:s12] =	ssyncadd.s32 $0xFFFFFF80  }
0x1f: {  	_ =	swait.ge @!p0 [sflag:s0], $0x4000  }
0x20: {  	[sflag:s0] =	ssyncset.done @!p0 $0x0  }
0x21: {  	[sflag:s0] =	ssyncadd.s32 @!p0 $0xFFFFC000;
	(ifvalue) =	ssetifvalue $0xFFFFFFFF  }
0x22: {  	p1 =	por $0x0, $0x0;
	(ifvalue) =	ssetifvalue $0xFFFFFFFF  }
0x23: {  	[tilespmem:s14], [sflag:$0x5] =	stream.indirect.gather [hbm4b:s3+s13], $0x80, s2, s13, $0x40b8;
	[tilespmem:$0x10200] =	vst v63  }
0x24: {  	s0 =	simm.s32 @p1 $0x7  }
0x25: {  	[tilespmem:s13], [sflag:$0x2] =	stream.linear.gather [hbm4b:s6+s2], $0x80, $0x38;
	[tilespmem:$0x10200] =	vst v63  }
0x26: {  	_ =	swait.ge @p1 [sflag:s0], $0x4000  }
0x27: {  	s1 =	rddreg [dreg:$0x3];
	[sflag:s0] =	ssyncset.done @p1 $0x0  }
0x28: {  	s4 =	simm.s32 @p1 $0x8200;
	[sflag:s0] =	ssyncadd.s32 @p1 $0xFFFFC000;
	s0 =	sadd.s32 @p1 $0x0, s1  }
0x29: {  	s7 =	simm.s32 @p1 $0x2;
	s1 =	simm.s32 @p1 $0x0;
	s5 =	sadd.s32 @p1 $0xFFFFF000, s0  }
0x2a: {  	[hbm4b:s5+s1] =	stream.linear.scatter @p1 [tilespmem:s4], [sflag:$0xB], $0x4000, $0x38;
	[tilespmem:$0x10200] =	vst v63  }
0x2b: {  	_ =	swait.ge @p1 [sflag:s7], $0x80  }
0x2c: {  	[sflag:s7] =	ssyncset.done @p1 $0x0  }
0x2d: {  	s4 =	simm.s32 @p1 $0xA;
	[sflag:s7] =	ssyncadd.s32 @p1 $0xFFFFFF80  }
0x2e: {  	_ =	swait.ge @p1 [sflag:s4], $0x4000  }
0x2f: {  	[sflag:s4] =	ssyncset.done @p1 $0x0  }
0x30: {  	s5 =	simm.s32 @!p1 $0x2;
	[sflag:s4] =	ssyncadd.s32 @p1 $0xFFFFC000  }
0x31: {  	_ =	swait.ge @!p1 [sflag:s5], $0x80  }
0x32: {  	[sflag:s5] =	ssyncset.done @!p1 $0x0  }
0x33: {  	[sflag:s5] =	ssyncadd.s32 @!p1 $0xFFFFFF80;
	(ifvalue) =	ssetifvalue $0xFFFFFFFF  }
0x34: {  	(ifvalue) =	ssetifvalue $0xFFFFFFFF  }
0x35: {  	[tilespmem:s15], [sflag:$0x6] =	stream.indirect.gather [hbm4b:s3+s13], $0x80, s13, s13, $0x40b8;
	[tilespmem:$0x10200] =	vst v63  }
0x36: {  	s4 =	simm.s32 @p1 $0x8  }
0x37: {  	[tilespmem:s16], [sflag:$0x3] =	stream.linear.gather [hbm4b:s11+s2], $0x80, $0x38;
	[tilespmem:$0x10200] =	vst v63  }
0x38: {  	_ =	swait.ge @p1 [sflag:s4], $0x4000  }
0x39: {  	s0 =	sadd.s32 @p1 $0xFFFFF800, s0;
	[sflag:s4] =	ssyncset.done @p1 $0x0  }
0x3a: {  	s5 =	simm.s32 @p1 $0xC200;
	[sflag:s4] =	ssyncadd.s32 @p1 $0xFFFFC000;
	s4 =	simm.s32 @p1 $0x3  }
0x3b: {  	[hbm4b:s0+s1] =	stream.linear.scatter @p1 [tilespmem:s5], [sflag:$0xC], $0x4000, $0x38;
	[tilespmem:$0x10200] =	vst v63  }
0x3c: {  	_ =	swait.ge @p1 [sflag:s4], $0x80  }
0x3d: {  	[sflag:s4] =	ssyncset.done @p1 $0x0  }
0x3e: {  	s0 =	simm.s32 @p1 $0xB;
	[sflag:s4] =	ssyncadd.s32 @p1 $0xFFFFFF80  }
0x3f: {  	_ =	swait.ge @p1 [sflag:s0], $0x4000  }
0x40: {  	[sflag:s0] =	ssyncset.done @p1 $0x0  }
0x41: {  	s1 =	simm.s32 @!p1 $0x3;
	[sflag:s0] =	ssyncadd.s32 @p1 $0xFFFFC000  }
0x42: {  	_ =	swait.ge @!p1 [sflag:s1], $0x80  }
0x43: {  	[sflag:s1] =	ssyncset.done @!p1 $0x0  }
0x44: {  	[sflag:s1] =	ssyncadd.s32 @!p1 $0xFFFFFF80;
	(ifvalue) =	ssetifvalue $0xFFFFFFFF  }
0x45: {  	(ifvalue) =	ssetifvalue $0xFFFFFFFF  }
0x46: {  	[tilespmem:s17], [sflag:$0x7] =	stream.indirect.gather [hbm4b:s3+s13], $0x80, s16, s13, $0x40b8;
	[tilespmem:$0x10200] =	vst v63  }
0x47: {  	_ = 	snop  }
0x48: {  	[tilespmem:s18], [sflag:$0x4] =	stream.linear.gather [hbm4b:s10+s2], $0x80, $0x38;
	[tilespmem:$0x10200] =	vst v63  }
0x49: {  	_ =	swait.ge [sflag:s19], $0x4000  }
0x4a: {  	s26 =	rddreg [dreg:$0x4];
	[sflag:s19] =	ssyncset.done $0x0  }
0x4b: {  	[sflag:s19] =	ssyncadd.s32 $0xFFFFC000;
	s0 =	sadd.s32 $0x0, s26  }
0x4c: {  	[hbm4b:s0+s2] =	stream.linear.scatter [tilespmem:s14], [sflag:$0x9], $0x4000, $0x38;
	[tilespmem:$0x10200] =	vst v63  }
0x4d: {  	_ =	swait.ge [sflag:s20], $0x80  }
0x4e: {  	[sflag:s20] =	ssyncset.done $0x0  }
0x4f: {  	s0 =	simm.s32 @!p0 $0xC;
	[sflag:s20] =	ssyncadd.s32 $0xFFFFFF80  }
0x50: {  	_ =	swait.ge @!p0 [sflag:s0], $0x4000  }
0x51: {  	[sflag:s0] =	ssyncset.done @!p0 $0x0  }
0x52: {  	[sflag:s0] =	ssyncadd.s32 @!p0 $0xFFFFC000;
	(ifvalue) =	ssetifvalue $0xFFFFFFFF  }
0x53: {  	p0 =	por $0x0, $0x0;
	(ifvalue) =	ssetifvalue $0xFFFFFFFF  }
0x54: {  	[tilespmem:s21], [sflag:$0x8] =	stream.indirect.gather [hbm4b:s3+s13], $0x80, s18, s13, $0x40b8;
	[tilespmem:$0x10200] =	vst v63  }
0x55: {  	s31 =	simm.s32 $0x2000;
	s0 =	simm.s32 @!p0 $0x0  }
0x56: {  	[tilespmem:s0], [sflag:$0x1] =	stream.linear.gather @!p0 [hbm4b:s9+s0], $0x80, $0x38;
	[tilespmem:$0x10200] =	vst v63  }
0x57: {  	s8 =	smov.u32 s6;
	s5 =	simm.s32 $0x0;
	_ =	swait.ge [sflag:s22], $0x4000  }
0x58: {  	s4 =	sadd.s32 $0x40, s11;
	s1 =	sadd.s32 $0x40, s9;
	[sflag:s22] =	ssyncset.done $0x0  }
0x59: {  	s0 =	sadd.s32 $0x40, s10;
	s7 =	rddreg [dreg:$0x5];
	[sflag:s22] =	ssyncadd.s32 $0xFFFFC000  }
.LBB2_2:
0x5a: {  	s7 =	sadd.s32 s5, s7  }
0x5b: {  	[hbm4b:s7+s2] =	stream.linear.scatter [tilespmem:s15], [sflag:$0xA], $0x4000, $0x38;
	[tilespmem:$0x10200] =	vst v63  }
0x5c: {  	s5 =	smov.u32 s31;
	_ =	swait.ge [sflag:s12], $0x80  }
0x5d: {  	p1 =	seq.s32 s5, $0x0;
	[sflag:s12] =	ssyncset.done $0x0  }
0x5e: {  	s7 =	simm.s32 @!p1 $0x9;
	[sflag:s12] =	ssyncadd.s32 $0xFFFFFF80  }
0x5f: {  	_ =	swait.ge @!p1 [sflag:s7], $0x4000  }
0x60: {  	[sflag:s7] =	ssyncset.done @!p1 $0x0  }
0x61: {  	[sflag:s7] =	ssyncadd.s32 @!p1 $0xFFFFC000;
	(ifvalue) =	ssetifvalue $0xFFFFFFFF  }
0x62: {  	p2 =	sne.s32 s5, $0x0;
	(ifvalue) =	ssetifvalue $0xFFFFFFFF  }
0x63: {  	[tilespmem:s14], [sflag:$0x5] =	stream.indirect.gather [hbm4b:s3+s13], $0x80, s2, s13, $0x40b8;
	[tilespmem:$0x10200] =	vst v63  }
0x64: {  	s8 =	sadd.s32 $0x40, s8;
	s7 =	simm.s32 @p2 $0x7  }
0x65: {  	[tilespmem:s13], [sflag:$0x2] =	stream.linear.gather [hbm4b:s8+s2], $0x80, $0x38;
	[tilespmem:$0x10200] =	vst v63  }
0x66: {  	_ =	swait.ge @p2 [sflag:s7], $0x4000  }
0x67: {  	[sflag:s7] =	ssyncset.done @p2 $0x0;
	s23 =	rddreg [dreg:$0x3]  }
0x68: {  	s24 =	simm.s32 @p2 $0x8200;
	[sflag:s7] =	ssyncadd.s32 @p2 $0xFFFFC000;
	s7 =	sadd.s32 @p2 s5, s23  }
0x69: {  	s26 =	simm.s32 @p2 $0x2;
	s23 =	simm.s32 @p2 $0x0;
	s25 =	sadd.s32 @p2 $0xFFFFF000, s7  }
0x6a: {  	[hbm4b:s25+s23] =	stream.linear.scatter @p2 [tilespmem:s24], [sflag:$0xB], $0x4000, $0x38;
	[tilespmem:$0x10200] =	vst v63  }
0x6b: {  	_ =	swait.ge @p2 [sflag:s26], $0x80  }
0x6c: {  	[sflag:s26] =	ssyncset.done @p2 $0x0  }
0x6d: {  	s24 =	simm.s32 @p2 $0xA;
	[sflag:s26] =	ssyncadd.s32 @p2 $0xFFFFFF80  }
0x6e: {  	_ =	swait.ge @p2 [sflag:s24], $0x4000  }
0x6f: {  	[sflag:s24] =	ssyncset.done @p2 $0x0  }
0x70: {  	s25 =	simm.s32 @!p2 $0x2;
	[sflag:s24] =	ssyncadd.s32 @p2 $0xFFFFC000  }
0x71: {  	_ =	swait.ge @!p2 [sflag:s25], $0x80  }
0x72: {  	[sflag:s25] =	ssyncset.done @!p2 $0x0  }
0x73: {  	[sflag:s25] =	ssyncadd.s32 @!p2 $0xFFFFFF80;
	(ifvalue) =	ssetifvalue $0xFFFFFFFF  }
0x74: {  	(ifvalue) =	ssetifvalue $0xFFFFFFFF  }
0x75: {  	[tilespmem:s15], [sflag:$0x6] =	stream.indirect.gather [hbm4b:s3+s13], $0x80, s13, s13, $0x40b8;
	[tilespmem:$0x10200] =	vst v63  }
0x76: {  	s24 =	simm.s32 @p2 $0x8  }
0x77: {  	[tilespmem:s16], [sflag:$0x3] =	stream.linear.gather [hbm4b:s4+s2], $0x80, $0x38;
	[tilespmem:$0x10200] =	vst v63  }
0x78: {  	_ =	swait.ge @p2 [sflag:s24], $0x4000  }
0x79: {  	s7 =	sadd.s32 @p2 $0xFFFFF800, s7;
	[sflag:s24] =	ssyncset.done @p2 $0x0  }
0x7a: {  	s25 =	simm.s32 @p2 $0xC200;
	[sflag:s24] =	ssyncadd.s32 @p2 $0xFFFFC000;
	s24 =	simm.s32 @p2 $0x3  }
0x7b: {  	[hbm4b:s7+s23] =	stream.linear.scatter @p2 [tilespmem:s25], [sflag:$0xC], $0x4000, $0x38;
	[tilespmem:$0x10200] =	vst v63  }
0x7c: {  	_ =	swait.ge @p2 [sflag:s24], $0x80  }
0x7d: {  	[sflag:s24] =	ssyncset.done @p2 $0x0  }
0x7e: {  	s7 =	simm.s32 @p2 $0xB;
	[sflag:s24] =	ssyncadd.s32 @p2 $0xFFFFFF80  }
0x7f: {  	_ =	swait.ge @p2 [sflag:s7], $0x4000  }
0x80: {  	[sflag:s7] =	ssyncset.done @p2 $0x0  }
0x81: {  	s23 =	simm.s32 @!p2 $0x3;
	[sflag:s7] =	ssyncadd.s32 @p2 $0xFFFFC000  }
0x82: {  	_ =	swait.ge @!p2 [sflag:s23], $0x80  }
0x83: {  	[sflag:s23] =	ssyncset.done @!p2 $0x0  }
0x84: {  	[sflag:s23] =	ssyncadd.s32 @!p2 $0xFFFFFF80;
	(ifvalue) =	ssetifvalue $0xFFFFFFFF  }
0x85: {  	(ifvalue) =	ssetifvalue $0xFFFFFFFF  }
0x86: {  	[tilespmem:s17], [sflag:$0x7] =	stream.indirect.gather [hbm4b:s3+s13], $0x80, s16, s13, $0x40b8;
	[tilespmem:$0x10200] =	vst v63  }
0x87: {  	_ = 	snop  }
0x88: {  	[tilespmem:s18], [sflag:$0x4] =	stream.linear.gather [hbm4b:s0+s2], $0x80, $0x38;
	[tilespmem:$0x10200] =	vst v63  }
0x89: {  	_ =	swait.ge [sflag:s19], $0x4000  }
0x8a: {  	s26 =	rddreg [dreg:$0x4];
	[sflag:s19] =	ssyncset.done $0x0  }
0x8b: {  	[sflag:s19] =	ssyncadd.s32 $0xFFFFC000;
	s7 =	sadd.s32 s5, s26  }
0x8c: {  	[hbm4b:s7+s2] =	stream.linear.scatter [tilespmem:s14], [sflag:$0x9], $0x4000, $0x38;
	[tilespmem:$0x10200] =	vst v63  }
0x8d: {  	_ =	swait.ge [sflag:s20], $0x80  }
0x8e: {  	[sflag:s20] =	ssyncset.done $0x0  }
0x8f: {  	s7 =	simm.s32 @!p1 $0xC;
	[sflag:s20] =	ssyncadd.s32 $0xFFFFFF80  }
0x90: {  	_ =	swait.ge @!p1 [sflag:s7], $0x4000  }
0x91: {  	[sflag:s7] =	ssyncset.done @!p1 $0x0  }
0x92: {  	s31 =	sadd.s32 $0x2000, s31;
	[sflag:s7] =	ssyncadd.s32 @!p1 $0xFFFFC000;
	(ifvalue) =	ssetifvalue $0xFFFFFFFF  }
0x93: {  	p0 =	sne.s32 s31, $0x70000;
	p1 =	seq.s32 s5, $0x6E000;
	(ifvalue) =	ssetifvalue $0xFFFFFFFF  }
0x94: {  	[tilespmem:s21], [sflag:$0x8] =	stream.indirect.gather [hbm4b:s3+s13], $0x80, s18, s13, $0x40b8;
	[tilespmem:$0x10200] =	vst v63  }
.Ltmp0:
0x95: {  	s7 =	simm.s32 @!p1 $0x0;
	(pc) =	sbr.rel @p0 .LBB2_2-.Ltmp0, $4  }
0x96: {  	[tilespmem:s7], [sflag:$0x1] =	stream.linear.gather @!p1 [hbm4b:s1+s7], $0x80, $0x38;
	[tilespmem:$0x10200] =	vst v63  }
0x97: {  	_ =	swait.ge [sflag:s22], $0x4000  }
0x98: {  	s4 =	sadd.s32 $0x40, s4;
	s0 =	sadd.s32 $0x40, s0;
	[sflag:s22] =	ssyncset.done $0x0  }
0x99: {  	s1 =	sadd.s32 $0x40, s1;
	s7 =	rddreg [dreg:$0x5];
	[sflag:s22] =	ssyncadd.s32 $0xFFFFC000  }
0x9a: {  	s0 =	sadd.s32 s5, s7;
	s7 =	simm.s32 $0x7  }
0x9b: {  	[hbm4b:s0+s2] =	stream.linear.scatter [tilespmem:s15], [sflag:$0xA], $0x4000, $0x38;
	[tilespmem:$0x10200] =	vst v63  }
0x9c: {  	_ =	swait.ge [sflag:s7], $0x4000  }
0x9d: {  	[sflag:s7] =	ssyncset.done $0x0  }
0x9e: {  	s23 =	simm.s32 $0x8;
	s8 =	rddreg [dreg:$0x7];
	[sflag:s7] =	ssyncadd.s32 $0xFFFFC000  }
0x9f: {  	[hbm4b:s8+s2] =	stream.linear.scatter [tilespmem:s17], [sflag:$0xB], $0x4000, $0x38;
	[tilespmem:$0x10200] =	vst v63  }
0xa0: {  	_ =	swait.ge [sflag:s23], $0x4000  }
0xa1: {  	[sflag:s23] =	ssyncset.done $0x0  }
0xa2: {  	s25 =	simm.s32 $0x9;
	s24 =	rddreg [dreg:$0x8];
	[sflag:s23] =	ssyncadd.s32 $0xFFFFC000  }
0xa3: {  	[hbm4b:s24+s2] =	stream.linear.scatter [tilespmem:s21], [sflag:$0xC], $0x4000, $0x38;
	[tilespmem:$0x10200] =	vst v63  }
0xa4: {  	_ =	swait.ge [sflag:s25], $0x4000  }
0xa5: {  	[sflag:s25] =	ssyncset.done $0x0  }
0xa6: {  	s26 =	simm.s32 $0xA;
	[sflag:s25] =	ssyncadd.s32 $0xFFFFC000  }
0xa7: {  	_ =	swait.ge [sflag:s26], $0x4000  }
0xa8: {  	[sflag:s26] =	ssyncset.done $0x0  }
0xa9: {  	[sflag:s26] =	ssyncadd.s32 $0xFFFFC000  }
0xaa: {  	_ =	swait.ge [sflag:s28], $0x4000  }
0xab: {  	[sflag:s28] =	ssyncset.done $0x0  }
0xac: {  	[sflag:s28] =	ssyncadd.s32 $0xFFFFC000  }
0xad: {  	_ =	swait.ge [sflag:s29], $0x4000  }
0xae: {  	s30 =	sadd.s32 $0x1, s30;
	s31 =	rddreg [dreg:$0x9]  }
0xaf: {  	p0 =	sne.s32 s30, s31  }
.Ltmp1:
0xb0: {  	_ = 	snop;
	(pc) =	sbr.rel @p0 .LBB2_1-.Ltmp1, $3  }
0xb1: {  	_ =	sdelay $0x1  }
0xb2: {  	[sflag:s29] =	ssyncset.done $0x0  }
0xb3: {  	[sflag:s29] =	ssyncadd.s32 $0xFFFFC000  }
0xb4: {  	_ =	sfence.sel $0x180000  }
0xb5: {  	[bflag:$0x0] =	sbarrier.arrive $0xFFFF  }
0xb6: {  	_ =	strace $0x90000047  }
0xb7: {  	s0 =	stileid.u32;
	[bflag:$0x2] =	sbarrier.arrive $0xFFFF  }
0xb8: {  	p0 =	sne.s32 s0, $0x0;
	s0 =	rddreg [dreg:$0x2]  }
0xb9: {  	s0 =	sadd.s32 @!p0 $0x100000, s0  }
0xba: {  	[sflag:s0] =	ssyncadd.tile.s32 @!p0 $0x1;
	_ =	shalt  }
.Lfunc_end2:
_tile_overlayer_lowered:
.L_overlay_start_2:
0xbb: {  	(tag) =	ssettag $0x2  }
0xbc: {  	s0 =	rddreg [dreg:$0x0];
	s2 =	stileid.u32  }
0xbd: {  	s1 =	rddreg [dreg:$0x1];
	p0 =	sne.s32 s2, $0x0  }
0xbe: {  	s3 =	rddreg [dreg:$0x2];
	[bflag:$0x3] =	sbarrier.arrive $0xFFFF;
	s2 =	simm.s32 @!p0 $0x1C0D  }
0xbf: {  	[timem:s3], [sflag:s2] =	dma.local @!p0 [hbm:s0], s1  }
0xc0: {  	s0 =	simm.s32 @!p0 $0xD  }
0xc1: {  	_ =	swait.ge @!p0 [sflag:s0], s1  }
0xc2: {  	s1 =	ssub.s32 @!p0 $0x0, s1;
	[sflag:s0] =	ssyncset.done @!p0 $0x0  }
0xc3: {  	[sflag:s0] =	ssyncadd.s32 @!p0 s1  }
0xc4: {  	[bflag:$0x3] =	sbarrier.arrive $0xFFFF  }
0xc5: {  	_ =	shalt  }

// kernel: sparse-core-data-format-call.cloned.1.call-start
scs
called_computation_lowered:
.L_overlay_start_0:
0x0: {  	s2 =	sld [smem:$0x3FD9]  }
0x1: {  	s3 =	sld [smem:$0x3FFE];
	_ =	sdelay $0x1  }
0x2: {  	s1 =	srdreg.scid  }
0x3: {  	s0 =	sand.u32 $0x1, s1  }
0x4: {  	s18 =	sshll.u32 s0, $0xA;
	s2 =	sadd.s32 s3, s2  }
0x5: {  	s2 =	sadd.s32 s2, s18  }
0x6: {  	[smem:$0x3FC6] =	sst s2  }
0x7: {  	_ = 	snop  }
0x8: {  	s2 =	sld [smem:$0x3FD0];
	(tm) =	ssettm $0x1  }
0x9: {  	s19 =	sld [smem:$0x3FFB];
	_ =	sdelay $0x3  }
0xa: {  	_ =	strace s19  }
0xb: {  	s3 =	sld [smem:$0x3FFC];
	_ =	sdelay $0x3  }
0xc: {  	_ =	strace s3  }
0xd: {  	s3 =	sld [smem:$0x3FFD];
	_ =	sdelay $0x3  }
0xe: {  	_ =	strace s3  }
0xf: {  	_ =	strace $0x8FFFFFFF  }
0x10: {  	s20 =	sld [smem:$0x3FDB];
	_ =	sdelay $0x1  }
0x11: {  	s4 =	simm.s32 $_scs_section_size  }
0x12: {  	s5 =	simm.s32 $_size__tile_overlayer_lowered;
	s6 =	simm.s32 $_tile_overlayer_lowered  }
0x13: {  	s23 =	simm.s32 $0x1BFF;
	s22 =	sshll.u32 s6, $0x1;
	s3 =	sadd.s32 s4, s20  }
0x14: {  	s7 =	simm.s32 $0x0;
	s21 =	sshll.u32 s5, $0x1;
	s5 =	sadd.s32 s22, s3  }
0x15: {  	[timem:s7], [sflag:s23] =	dma.local [hbm:s5], s21  }
0x16: {  	_ =	swait.ge [sflag:s23], s21  }
0x17: {  	s4 =	ssub.s32 $0x0, s21;
	[sflag:s23] =	ssyncset.done $0x0  }
0x18: {  	[sflag:s23] =	ssyncadd.s32 s4;
	_ =	sdelay $0x1  }
0x19: {  	s24 =	simm.s32 $0x1B8B  }
0x1a: {  	_ =	swait.ge [sflag:s24], $0x1  }
0x1b: {  	[sflag:s24] =	ssyncset.done $0x0  }
0x1c: {  	s26 =	simm.s32 $0x1B8E;
	s25 =	sld [smem:$0x3FFE];
	[sflag:s24] =	ssyncadd.s32 $0xFFFFFFFF  }
0x1d: {  	s27 =	simm.s32 $execute0_lowered;
	[smem:$0x3FD2] =	sst s26  }
0x1e: {  	s5 =	sshll.u32 s27, $0x1;
	_ =	strace $0x80000049;
	[dreg:$0x1] =	wrdreg $0xFFFFFFFF  }
0x1f: {  	s28 =	simm.s32 $_size_execute0_lowered;
	s3 =	sadd.s32 s3, s5;
	[dreg:$0x0] =	wrdreg $0x0  }
0x20: {  	s5 =	sshll.u32 s28, $0x1;
	[dreg:$0x2] =	wrdreg s3  }
0x21: {  	[dreg:$0x3] =	wrdreg s5  }
0x22: {  	[dreg:$0x4] =	wrdreg $0xC0  }
0x23: {  	_ =	task [dreg:s7], $0x5FFFF  }
0x24: {  	[dreg:$0x1] =	wrdreg $0xFFFFFFFF  }
0x25: {  	[dreg:$0x0] =	wrdreg $0x60  }
0x26: {  	[dreg:$0x2] =	wrdreg s25  }
0x27: {  	[dreg:$0x3] =	wrdreg s2  }
0x28: {  	[dreg:$0x4] =	wrdreg $0x9  }
0x29: {  	_ =	task.clear_ibuf [dreg:s7], $0x5FFFF;
	_ =	strace $0x90000049  }
0x2a: {  	s29 =	simm.s32 $0x9;
	_ =	strace $0x8000004B  }
0x2b: {  	_ =	swait.ge [sflag:s29], $0x1  }
0x2c: {  	[sflag:s29] =	ssyncadd.s32 $0xFFFFFFFF  }
0x2d: {  	_ =	strace $0x9000004B  }
0x2e: {  	_ =	sfence  }
0x2f: {  	s30 =	sld [smem:$0x0];
	_ =	sdelay $0x2  }
0x30: {  	s31 =	sshll.u32 s1, $0xD;
	s1 =	sshrl.u32 s1, $0x2  }
0x31: {  	s3 =	sand.u32 $0x4000, s31;
	s1 =	sadd.s32 s1, s30  }
0x32: {  	s0 =	sor.u32 s3, s0;
	s1 =	sshll.u32 s1, $0x11  }
0x33: {  	s0 =	sor.u32 s1, s0  }
0x34: {  	s0 =	sadd.s32 $0x8F2B, s0  }
0x35: {  	[sflag:s0] =	ssyncadd.remote.s32 $0x1  }
0x36: {  	_ =	sfence.sel $0xFFFF  }
0x37: {  	[dreg:$0x0] =	wrdreg $0xFFFFFFFF;
	(pc) =	sbr.abs _section_cstart, $3  }
0x38: {  	[dreg:$0x1] =	wrdreg $0xFFFFFFFF  }
0x39: {  	_ =	task.clear_ibuf [dreg:s7], $0x2FFFF;
	_ =	strace $0x9FFFFFFF  }
0x3a: {  	(tm) =	ssettm $0x7FFFFFFF  }
0x3b: {  	_ =	shalt  }
tec
execute0_lowered:
.L_overlay_start_1:
0x0: {  	(tag) =	ssettag $0x1  }
0x1: {  	s0 =	srdreg.scid  }
0x2: {  	s1 =	sshll.u32 s0, $0x4  }
0x3: {  	s0 =	stileid.u32;
	s1 =	sand.u32 $0x10, s1  }
0x4: {  	s1 =	sor.u32 s0, s1  }
0x5: {  	s6 =	rddreg [dreg:$0x0];
	s4 =	simm.s32 $0x1;
	s2 =	sshll.u32 s1, $0x7  }
0x6: {  	s7 =	simm.s32 $0x2;
	s12 =	simm.s32 $0x0;
	s1 =	ssub.s32 $0x4000, s2  }
0x7: {  	s8 =	simm.s32 $0x20000;
	s13 =	simm.s32 $0x0;
	s3 =	sand.u32 $0xF80, s1  }
0x8: {  	s9 =	simm.s32 $0x0;
	s5 =	sshrl.u32 s1, $0xC;
	p0 =	sne.s32 s3, $0x0  }
.Ltmp0:
0x9: {  	s1 =	rddreg [dreg:$0x2];
	s4 =	simm.s32 @!p0 $0x0;
	(pc) =	sbr.rel .LBB1_1-.Ltmp0, $4  }
0xa: {  	s11 =	simm.s32 $0x0;
	s3 =	rddreg [dreg:$0x1];
	s5 =	sadd.s32 s4, s5  }
0xb: {  	_ =	strace $0x8000004A;
	s4 =	simm.s32 $0x1;
	s5 =	smul.u32 $0x32, s5  }
0xc: {  	s6 =	sadd.s32 $0xA00, s6;
	s10 =	smov.u32 s2;
	[sflag:s4] =	ssyncpa.u1 $0x0  }
0xd: {  	p0 =	por $0x0, $0x0;
	[sflag:s7] =	ssyncpa.u1 $0x0;
	s7 =	sor.u32 $0x1, s5  }
.LBB1_4:
0xe: {  	s16 =	sshll.u32 s13, $0x3;
	s17 =	sand.u32 $0x78, s13  }
0xf: {  	s30 =	sand.u32 $0x1F800, s13;
	s12 =	sshll.u32 s12, $0x11;
	s16 =	sand.u32 $0x3C00, s16  }
0x10: {  	[tilespmem:s15+$0x810 ss:$0x81] =	vst.msk $0xffff, v2;
	s31 =	sand.u32 $0x7, s13;
	s16 =	sor.u32 s17, s16;
	s17 =	sadd.s32 s3, s30  }
0x11: {  	[tilespmem:s15+$0x1020 ss:$0x81] =	vst.msk $0xffff, v0;
	s13 =	sshll.u32 s31, $0x12;
	s12 =	sadd.s32 s12, s17;
	s16 =	sshrl.u32 s16, $0x3  }
0x12: {  	[tilespmem:s15+$0x0 ss:$0x81] =	vst.msk $0xffff, v1;
	s13 =	sor.u32 $0x400, s13;
	s12 =	sadd.s32 s16, s12  }
0x13: {  	[hbm4b:s12+s13] =	stream.strided.scatter [tilespmem:s14], [sflag:$0x2], $0x2000, s8, s13, $0x20;
	[tilespmem:$0x8080] =	vst v63  }
.LBB1_5:
0x14: {  	s14 =	sadd.s32 $0x1, s9  }
0x15: {  	s12 =	sadd.s32 $0x1000, s10;
	s16 =	smov.u32 s10;
	p2 =	sgt.s32 s14, $0x31  }
0x16: {  	s16 =	smov.u32 @p2 s12  }
0x17: {  	s14 =	simm.s32 @p2 $0x0;
	p2 =	sgt.s32 s16, $0x3FFF  }
0x18: {  	s16 =	smov.u32 @p2 s2;
	p2 =	sne.s32 s11, s7  }
.Ltmp1:
0x19: {  	p1 =	slt.u32 s11, $0x2;
	(pc) =	sbr.rel @!p2 .LBB1_6-.Ltmp1, $4  }
0x1a: {  	s15 =	simm.s32 @!p1 $0x2  }
0x1b: {  	s13 =	smov.u32 s10;
	p0 =	por !p0, !p0;
	_ =	swait.ge @!p1 [sflag:s15], $0x2000  }
0x1c: {  	s12 =	smov.u32 s9;
	[sflag:s15] =	ssyncset.done @!p1 $0x0;
	s9 =	smov.u32 s14  }
0x1d: {  	s11 =	sadd.s32 $0x1, s11;
	[sflag:s15] =	ssyncadd.s32 @!p1 $0xFFFFE000;
	s10 =	smov.u32 s16  }
.LBB1_1:
0x1e: {  	p1 =	sge.u32 s11, s5  }
0x1f: {  	s14 =	sand.u32 @!p1 $0x1FFFFFF, s9  }
0x20: {  	s15 =	smulhi.u32 @!p1 $0x4924925, s14;
	_ =	sdelay $0x1  }
0x21: {  	s15 =	smul.u32 @!p1 $0x38, s15  }
0x22: {  	s16 =	sxor.u32 @!p1 $0xFFFFFFFF, s11;
	s17 =	smul.u32 @!p1 $0x380, s10  }
0x23: {  	s31 =	sadd.s32 $0xFFFFFFFF, s11;
	s16 =	sshll.u32 @!p1 s16, $0xD;
	s14 =	ssub.s32 @!p1 s14, s15  }
0x24: {  	s15 =	sand.u32 @!p1 $0x2000, s16;
	s16 =	sadd.s32 @!p1 s6, s17;
	s14 =	sshll.u32 @!p1 s14, $0x4  }
0x25: {  	s17 =	simm.s32 @!p1 $0x1C00;
	s14 =	sadd.s32 @!p1 s14, s16;
	s16 =	simm.s32 @!p1 $0x40  }
0x26: {  	[tilespmem:s15], [sflag:$0x1] =	stream.strided.gather @!p1 [hbm4b:s14+s16], $0x2000, s17, s16, $0x38;
	[tilespmem:$0x8080] =	vst v63  }
0x27: {  	p1 =	sge.u32 s31, s5  }
.Ltmp2:
0x28: {  	_ = 	snop;
	(pc) =	sbr.rel @p1 .LBB1_5-.Ltmp2, $1  }
0x29: {  	_ =	sdelay $0x3  }
0x2a: {  	s14 =	simm.s32 $0x1  }
0x2b: {  	_ =	swait.ge [sflag:s4], $0x2000;
	s14 =	simm.s32 @!p0 $0x0  }
0x2c: {  	[sflag:s4] =	ssyncset.done $0x0;
	s15 =	sshll.u32 s14, $0xD  }
0x2d: {  	[sflag:s4] =	ssyncadd.s32 $0xFFFFE000;
	s18 =	sor.u32 $0x20, s15  }
0x2e: {  	s14 =	smul.u32 $0x8100, s14;
	v3 =	vld [tilespmem:s18+$0x10]  }
0x2f: {  	s30 =	sand.u32 $0x1, s11;
	v2 =	vld [tilespmem:s18+$0xFFFFFFF0]  }
0x30: {  	s15 =	smul.u32 $0x8100, s30;
	s14 =	sshrl.u32 s14, $0x2;
	v0 =	vld [tilespmem:s18+$0x0]  }
0x31: {  	v1 =	vld [tilespmem:s18+$0xFFFFFFE0];
	s16 =	sor.u32 $0x4000, s14  }
0x32: {  	s31 =	sshrl.u32 s15, $0x2;
	s15 =	sadd.s32 $0x0, s16  }
0x33: {  	s17 =	simm.s32 $0x4;
	s18 =	sadd.s32 $0x40, s18;
	s14 =	sor.u32 $0x4000, s31;
	[tilespmem:s15+$0x1830 ss:$0x81] =	vst.msk $0xffff, v3  }
.LBB1_3:
0x34: {  	v3 =	vld [tilespmem:s18+$0x10];
	p1 =	sne.s32 s17, $0x1FC;
	[tilespmem:s15+$0x810 ss:$0x81] =	vst.msk $0xffff, v2;
	s19 =	smov.u32 s17;
	s17 =	sadd.s32 $0x4, s17  }
.Ltmp3:
0x35: {  	v2 =	vld [tilespmem:s18+$0xFFFFFFF0];
	[tilespmem:s15+$0x1020 ss:$0x81] =	vst.msk $0xffff, v0;
	(pc) =	sbr.rel @p1 .LBB1_3-.Ltmp3, $4  }
0x36: {  	v0 =	vld [tilespmem:s18+$0x0];
	[tilespmem:s15+$0x0 ss:$0x81] =	vst.msk $0xffff, v1  }
0x37: {  	s15 =	sshra.s32 s19, $0x2;
	v1 =	vld [tilespmem:s18+$0xFFFFFFE0]  }
0x38: {  	s15 =	sadd.s32 s15, s16  }
0x39: {  	s18 =	sadd.s32 $0x40, s18;
	[tilespmem:s15+$0x1830 ss:$0x81] =	vst.msk $0xffff, v3  }
.Ltmp4:
0x3a: {  	_ = 	snop;
	(pc) =	sbr.rel .LBB1_4-.Ltmp4, $1  }
0x3b: {  	_ =	sdelay $0x3  }
.LBB1_6:
0x3c: {  	_ =	sfence.sel $0x180000  }
0x3d: {  	s2 =	simm.s32 $0x1;
	[bflag:$0x0] =	sbarrier.arrive $0xFFFF  }
0x3e: {  	s31 =	simm.s32 $0x2;
	[sflag:s2] =	ssyncpa.u1 $0x1  }
0x3f: {  	[sflag:s31] =	ssyncpa.u1 $0x1  }
0x40: {  	p0 =	sne.s32 s0, $0x0;
	_ =	strace $0x9000004A  }
0x41: {  	s0 =	sadd.s32 @!p0 $0x100000, s1;
	[bflag:$0x2] =	sbarrier.arrive $0xFFFF  }
0x42: {  	[sflag:s0] =	ssyncadd.tile.s32 @!p0 $0x1;
	_ =	shalt  }
.Lfunc_end1:
_tile_overlayer_lowered:
.L_overlay_start_2:
0x43: {  	(tag) =	ssettag $0x2  }
0x44: {  	s0 =	rddreg [dreg:$0x0];
	s2 =	stileid.u32  }
0x45: {  	s1 =	rddreg [dreg:$0x1];
	p0 =	sne.s32 s2, $0x0  }
0x46: {  	s3 =	rddreg [dreg:$0x2];
	[bflag:$0x3] =	sbarrier.arrive $0xFFFF;
	s2 =	simm.s32 @!p0 $0x1C01  }
0x47: {  	[timem:s3], [sflag:s2] =	dma.local @!p0 [hbm:s0], s1  }
0x48: {  	s0 =	simm.s32 @!p0 $0x1  }
0x49: {  	_ =	swait.ge @!p0 [sflag:s0], s1  }
0x4a: {  	s1 =	ssub.s32 @!p0 $0x0, s1;
	[sflag:s0] =	ssyncset.done @!p0 $0x0  }
0x4b: {  	[sflag:s0] =	ssyncadd.s32 @!p0 s1  }
0x4c: {  	[bflag:$0x3] =	sbarrier.arrive $0xFFFF  }
0x4d: {  	_ =	shalt  }

</sc_bundles>
